<compile_context>
chip_gen: v7x
topology: tpu7x:2x2x1
jax: 0.10.2.dev20260603
libtpu: 0.0.44.dev20260713+nightly
codegen_flags: <defaults>
</compile_context>

<pallas_src>
import functools

import jax
import jax.numpy as jnp
from jax import lax
from jax.experimental import pallas as pl
from jax.experimental.pallas import tpu as pltpu
from jax.experimental.pallas import tpu_sc as plsc

NE = 16
D = 1024
F = 512
T = 2048
BLK = 256
BLK_SHIFT = 8
NBLK = (T * 2) // BLK + NE
PMAX = NBLK * BLK
NBE = 64
RB = 512
_NEG = -1e30

NW = 32
TPW = T // NW


def _router_body(x_ref, gw_ref, pos0_ref, pos1_ref, w0_ref, w1_ref, be_ref):
    x = x_ref[...]
    gw = gw_ref[...]
    logits = lax.dot_general(x, gw, (((1,), (1,)), ((), ())),
                             preferred_element_type=jnp.float32)
    eiota = lax.broadcasted_iota(jnp.int32, (T, NE), 1)
    m1 = jnp.max(logits, axis=1, keepdims=True)
    i1 = jnp.min(jnp.where(logits == m1, eiota, NE), axis=1, keepdims=True)
    masked = jnp.where(eiota == i1, _NEG, logits)
    m2 = jnp.max(masked, axis=1, keepdims=True)
    i2 = jnp.min(jnp.where(masked == m2, eiota, NE), axis=1, keepdims=True)
    w0_ref[...] = jax.nn.sigmoid(m1 - m2)
    w1_ref[...] = jax.nn.sigmoid(m2 - m1)

    oh0 = (eiota == i1).astype(jnp.int32)
    oh1 = (eiota == i2).astype(jnp.int32)

    def ex_cumsum(a):
        c = a
        s = 1
        while s < T:
            c = c + jnp.concatenate(
                [jnp.zeros((s, NE), jnp.int32), c[: T - s, :]], axis=0)
            s *= 2
        return c - a

    c0 = ex_cumsum(oh0)
    c1 = ex_cumsum(oh1)
    tot0 = jnp.sum(oh0, axis=0, keepdims=True)
    cnt = tot0 + jnp.sum(oh1, axis=0, keepdims=True)
    nb = lax.shift_right_logical(cnt + (BLK - 1), BLK_SHIFT)
    r = lax.broadcasted_iota(jnp.int32, (NE, NE), 0)
    c = lax.broadcasted_iota(jnp.int32, (NE, NE), 1)
    lt = (r < c).astype(jnp.float32)
    boff = lax.dot_general(nb.astype(jnp.float32), lt, (((1,), (0,)), ((), ())),
                           preferred_element_type=jnp.float32)
    boff = boff.astype(jnp.int32)
    offs = boff * BLK
    pos0_ref[...] = jnp.sum(oh0 * (offs + c0), axis=1, keepdims=True)
    pos1_ref[...] = jnp.sum(oh1 * (offs + tot0 + c1), axis=1, keepdims=True)
    jio = lax.broadcasted_iota(jnp.int32, (NBE, NE), 0)
    le = (jnp.broadcast_to(boff, (NBE, NE)) <= jio).astype(jnp.int32)
    bemap = jnp.sum(le, axis=1, keepdims=True) - 1
    nused = jnp.sum(nb, axis=1, keepdims=True)
    rio = lax.broadcasted_iota(jnp.int32, (NBE, 1), 0)
    be_ref[...] = jnp.where(rio == NBLK, jnp.broadcast_to(nused, (NBE, 1)),
                            bemap)


_router_call = pl.pallas_call(
    _router_body,
    out_shape=(
        jax.ShapeDtypeStruct((T, 1), jnp.int32),
        jax.ShapeDtypeStruct((T, 1), jnp.int32),
        jax.ShapeDtypeStruct((T, 1), jnp.float32),
        jax.ShapeDtypeStruct((T, 1), jnp.float32),
        jax.ShapeDtypeStruct((NBE, 1), jnp.int32),
    ),
)


@functools.lru_cache(maxsize=None)
def _sc_kernels():
    info = plsc.get_sparse_core_info()
    nc = info.num_cores
    mesh = plsc.VectorSubcoreMesh(core_axis_name="c", subcore_axis_name="s")

    @functools.partial(
        pl.kernel,
        mesh=mesh,
        out_type=jax.ShapeDtypeStruct((PMAX, D), jnp.float32),
        scratch_types=[
            pltpu.VMEM((TPW,), jnp.int32),
            pltpu.VMEM((TPW,), jnp.int32),
            pltpu.VMEM((TPW, D), jnp.float32),
            pltpu.SemaphoreType.DMA,
        ],
    )
    def dispatch(x_hbm, pos0_hbm, pos1_hbm, xg_hbm, idx0_v, idx1_v, rows_v,
                 sem):
        wid = lax.axis_index("s") * nc + lax.axis_index("c")
        base = wid * TPW
        a = pltpu.async_copy(x_hbm.at[pl.ds(base, TPW)], rows_v, sem)
        b = pltpu.async_copy(pos0_hbm.at[pl.ds(base, TPW)], idx0_v, sem)
        c = pltpu.async_copy(pos1_hbm.at[pl.ds(base, TPW)], idx1_v, sem)
        a.wait()
        b.wait()
        c.wait()
        s0 = pltpu.async_copy(rows_v, xg_hbm.at[idx0_v], sem)
        s1 = pltpu.async_copy(rows_v, xg_hbm.at[idx1_v], sem)
        s0.wait()
        s1.wait()

    @functools.partial(
        pl.kernel,
        mesh=mesh,
        out_type=(
            jax.ShapeDtypeStruct((T, D), jnp.float32),
            jax.ShapeDtypeStruct((T, D), jnp.float32),
        ),
        scratch_types=[
            pltpu.VMEM((TPW,), jnp.int32),
            pltpu.VMEM((TPW,), jnp.int32),
            pltpu.VMEM((TPW // 2, D), jnp.float32),
            pltpu.VMEM((TPW // 2, D), jnp.float32),
            pltpu.SemaphoreType.DMA,
        ],
    )
    def gather(yg_hbm, pos0_hbm, pos1_hbm, y0_hbm, y1_hbm, idx0_v, idx1_v,
               rows0_v, rows1_v, sem):
        wid = lax.axis_index("s") * nc + lax.axis_index("c")
        base = wid * TPW
        h = TPW // 2
        a = pltpu.async_copy(pos0_hbm.at[pl.ds(base, TPW)], idx0_v, sem)
        b = pltpu.async_copy(pos1_hbm.at[pl.ds(base, TPW)], idx1_v, sem)
        a.wait()
        b.wait()
        for k in range(2):
            g0 = pltpu.async_copy(yg_hbm.at[idx0_v.at[pl.ds(k * h, h)]],
                                  rows0_v, sem)
            g1 = pltpu.async_copy(yg_hbm.at[idx1_v.at[pl.ds(k * h, h)]],
                                  rows1_v, sem)
            g0.wait()
            g1.wait()
            s0 = pltpu.async_copy(rows0_v, y0_hbm.at[pl.ds(base + k * h, h)],
                                  sem)
            s1 = pltpu.async_copy(rows1_v, y1_hbm.at[pl.ds(base + k * h, h)],
                                  sem)
            s0.wait()
            s1.wait()

    return dispatch, gather


def _sc_dispatch(x, pos0f, pos1f):
    return _sc_kernels()[0](x, pos0f, pos1f)


def _sc_gather(yg, pos0f, pos1f):
    return _sc_kernels()[1](yg, pos0f, pos1f)


def _gmm_body(be_ref, xg_ref, w1_ref, w3_ref, w2_ref, yg_ref):
    j = pl.program_id(0)

    @pl.when(j < be_ref[NBLK])
    def _():
        xb = xg_ref[...]
        h = lax.dot_general(xb, w1_ref[0], (((1,), (1,)), ((), ())),
                            preferred_element_type=jnp.float32)
        u = lax.dot_general(xb, w3_ref[0], (((1,), (1,)), ((), ())),
                            preferred_element_type=jnp.float32)
        a = h * jax.nn.sigmoid(h) * u
        yg_ref[...] = lax.dot_general(a, w2_ref[0], (((1,), (1,)), ((), ())),
                                      preferred_element_type=jnp.float32)


_gmm_call = pl.pallas_call(
    _gmm_body,
    grid_spec=pltpu.PrefetchScalarGridSpec(
        num_scalar_prefetch=1,
        grid=(NBLK,),
        in_specs=[
            pl.BlockSpec((BLK, D), lambda j, be: (jnp.where(j < be[NBLK], j, 0), 0)),
            pl.BlockSpec((1, F, D), lambda j, be: (be[j], 0, 0)),
            pl.BlockSpec((1, F, D), lambda j, be: (be[j], 0, 0)),
            pl.BlockSpec((1, D, F), lambda j, be: (be[j], 0, 0)),
        ],
        out_specs=pl.BlockSpec((BLK, D),
                               lambda j, be: (jnp.where(j < be[NBLK], j, NBLK), 0)),
    ),
    out_shape=jax.ShapeDtypeStruct((PMAX + BLK, D), jnp.float32),
)


def _shared_body(x_ref, ws1_ref, ws3_ref, ws2_ref, sg_ref, o_ref):
    xb = x_ref[...]
    s1 = lax.dot_general(xb, ws1_ref[...], (((1,), (1,)), ((), ())),
                         preferred_element_type=jnp.float32)
    s3 = lax.dot_general(xb, ws3_ref[...], (((1,), (1,)), ((), ())),
                         preferred_element_type=jnp.float32)
    a = s1 * jax.nn.sigmoid(s1) * s3
    sh = lax.dot_general(a, ws2_ref[...], (((1,), (1,)), ((), ())),
                         preferred_element_type=jnp.float32)
    g = jax.nn.sigmoid(lax.dot_general(xb, sg_ref[...], (((1,), (1,)), ((), ())),
                                       preferred_element_type=jnp.float32))
    o_ref[...] = g * sh


def _shared_call(x, ws1, ws3, ws2, sgw):
    sf = ws1.shape[0]
    return pl.pallas_call(
        _shared_body,
        grid=(T // RB,),
        in_specs=[
            pl.BlockSpec((RB, D), lambda i: (i, 0)),
            pl.BlockSpec((sf, D), lambda i: (0, 0)),
            pl.BlockSpec((sf, D), lambda i: (0, 0)),
            pl.BlockSpec((D, sf), lambda i: (0, 0)),
            pl.BlockSpec((1, D), lambda i: (0, 0)),
        ],
        out_specs=pl.BlockSpec((RB, D), lambda i: (i, 0)),
        out_shape=jax.ShapeDtypeStruct((T, D), jnp.float32),
    )(x, ws1, ws3, ws2, sgw)


def _combine_body(y0_ref, y1_ref, w0_ref, w1_ref, gs_ref, o_ref):
    o_ref[...] = (w0_ref[...] * y0_ref[...] + w1_ref[...] * y1_ref[...]
                  + gs_ref[...])


def _combine_call(y0, y1, w0, w1, gs):
    return pl.pallas_call(
        _combine_body,
        grid=(T // RB,),
        in_specs=[
            pl.BlockSpec((RB, D), lambda i: (i, 0)),
            pl.BlockSpec((RB, D), lambda i: (i, 0)),
            pl.BlockSpec((RB, 1), lambda i: (i, 0)),
            pl.BlockSpec((RB, 1), lambda i: (i, 0)),
            pl.BlockSpec((RB, D), lambda i: (i, 0)),
        ],
        out_specs=pl.BlockSpec((RB, D), lambda i: (i, 0)),
        out_shape=jax.ShapeDtypeStruct((T, D), jnp.float32),
    )(y0, y1, w0, w1, gs)


def kernel(hidden_states, gate_w, w1, w2, w3, ws1, ws2, ws3, shared_gate_w):
    B, S, _ = hidden_states.shape
    x = hidden_states.reshape(T, D)
    pos0, pos1, wt0, wt1, be = _router_call(x, gate_w)
    pos0f = pos0.reshape(T)
    pos1f = pos1.reshape(T)
    bev = be.reshape(NBE)[:NBLK + 1]
    gs = _shared_call(x, ws1, ws3, ws2, shared_gate_w)
    xg = _sc_dispatch(x, pos0f, pos1f)
    yg = _gmm_call(bev, xg, w1, w3, w2)
    y0, y1 = _sc_gather(yg, pos0f, pos1f)
    out = _combine_call(y0, y1, wt0, wt1, gs)
    return out.reshape(B, S, D)

# --- scband reference (transcript-rebuilt; emitter-appended) ---
"""Pipeline reference for scband-qwen3-next-sparse-moe-block-25245817766043 (READ-ONLY COPY).

The authoritative reference and input builder live on the scoring server;
editing this copy changes nothing except your own understanding.
"""

import jax, jax.numpy as jnp
import numpy as np

NUM_EXPERTS = 16
TOP_K = 2
HIDDEN = 1024
MOE_FF = 512
SHARED_FF = 512


def _silu(x):
    return x * jax.nn.sigmoid(x)


def setup_inputs(seed: int = 0) -> dict:
    key = jax.random.key(seed)
    ks = jax.random.split(key, 10)
    hidden_states = jax.random.normal(ks[0], (1, 2048, HIDDEN), dtype=jnp.float32)
    gate_w = jax.random.normal(ks[1], (NUM_EXPERTS, HIDDEN), dtype=jnp.float32) * 0.02
    w1 = jax.random.normal(ks[2], (NUM_EXPERTS, MOE_FF, HIDDEN), dtype=jnp.float32) * 0.02
    w2 = jax.random.normal(ks[3], (NUM_EXPERTS, HIDDEN, MOE_FF), dtype=jnp.float32) * 0.02
    w3 = jax.random.normal(ks[4], (NUM_EXPERTS, MOE_FF, HIDDEN), dtype=jnp.float32) * 0.02
    ws1 = jax.random.normal(ks[5], (SHARED_FF, HIDDEN), dtype=jnp.float32) * 0.02
    ws2 = jax.random.normal(ks[6], (HIDDEN, SHARED_FF), dtype=jnp.float32) * 0.02
    ws3 = jax.random.normal(ks[7], (SHARED_FF, HIDDEN), dtype=jnp.float32) * 0.02
    shared_gate_w = jax.random.normal(ks[8], (1, HIDDEN), dtype=jnp.float32) * 0.02
    return {"hidden_states": hidden_states, "gate_w": gate_w, "w1": w1, "w2": w2, "w3": w3,
            "ws1": ws1, "ws2": ws2, "ws3": ws3, "shared_gate_w": shared_gate_w}


def reference(hidden_states, gate_w, w1, w2, w3, ws1, ws2, ws3, shared_gate_w):
    B, S, D = hidden_states.shape
    x = hidden_states.reshape(-1, D)
    T = x.shape[0]
    E = gate_w.shape[0]
    # router
    router_logits = x @ gate_w.T
    routing_weights = jax.nn.softmax(router_logits.astype(jnp.float32), axis=1)
    topk_vals, topk_idx = jax.lax.top_k(routing_weights, TOP_K)
    # norm_topk_prob = True
    topk_vals = topk_vals / jnp.sum(topk_vals, axis=-1, keepdims=True)
    topk_vals = topk_vals.astype(x.dtype)
    # dense combine weights [T, E] (zero for non-selected experts) -> faithful torch_moe
    combine = jnp.zeros((T, E), dtype=x.dtype).at[jnp.arange(T)[:, None], topk_idx].add(topk_vals)
    # expert MLPs (SwiGLU)
    h = jnp.einsum('td,efd->etf', x, w1)
    u = jnp.einsum('td,efd->etf', x, w3)
    act = _silu(h) * u
    expert_out = jnp.einsum('etf,edf->etd', act, w2)
    moe_out = jnp.einsum('te,etd->td', combine, expert_out)
    # shared expert with sigmoid gate
    shared = (_silu(x @ ws1.T) * (x @ ws3.T)) @ ws2.T
    g = jax.nn.sigmoid(x @ shared_gate_w.T)
    out = moe_out + g * shared
    return out.reshape(B, S, D)

if __name__ == "__main__":
    import jax
    _d = setup_inputs()
    print(jax.jit(kernel)(*tuple(_d.values())))

</pallas_src>

<mosaic_0001>
#map = affine_map<(d0, d1) -> (0, 0)>
#map1 = affine_map<(d0, d1) -> (0)>
module attributes {stable_mosaic.version = 14 : i64} {
  func.func @gather(%arg0: i32, %arg1: i32, %arg2: memref<8448x1024xf32, #tpu.memory_space<hbm>>, %arg3: memref<2048xi32, #tpu.memory_space<hbm>>, %arg4: memref<2048xi32, #tpu.memory_space<hbm>>, %arg5: memref<2048x1024xf32, #tpu.memory_space<hbm>>, %arg6: memref<2048x1024xf32, #tpu.memory_space<hbm>>, %arg7: memref<64xi32, #tpu.memory_space<vmem>>, %arg8: memref<64xi32, #tpu.memory_space<vmem>>, %arg9: memref<32x1024xf32, #tpu.memory_space<vmem>>, %arg10: memref<32x1024xf32, #tpu.memory_space<vmem>>, %arg11: memref<!tpu.dma_semaphore, #tpu.memory_space<semaphore_mem>>) attributes {dimension_semantics = [#tpu.dimension_semantics<core_parallel>, #tpu.dimension_semantics<subcore_parallel>], iteration_bounds = array<i64: 2, 16>, scalar_prefetch = 0 : i64, scratch_operands = 5 : i64, tpu.core_type = #tpu.core_type<sc_vector_subcore>, window_params = [{transform_indices = #map}, {transform_indices = #map1}, {transform_indices = #map1}, {transform_indices = #map}, {transform_indices = #map}]} {
    %mul3A = arith.constant 2 : i32
    %mul3A_0 = arith.muli %arg1, %mul3A : i32
    %add3A = arith.addi %mul3A_0, %arg0 : i32
    %mul3A_1 = arith.constant 64 : i32
    %mul3A_2 = arith.muli %add3A, %mul3A_1 : i32
    %dma_start3A = tpu.memref_slice %arg3[%mul3A_2] : memref<2048xi32, #tpu.memory_space<hbm>> -> memref<64xi32, #tpu.memory_space<hbm>>
    %dma_start3A_3 = tpu.memref_slice %arg3[%mul3A_2] : memref<2048xi32, #tpu.memory_space<hbm>> -> memref<64xi32, #tpu.memory_space<hbm>>
    tpu.enqueue_dma source(%dma_start3A_3 : memref<64xi32, #tpu.memory_space<hbm>>) target(%arg7 : memref<64xi32, #tpu.memory_space<vmem>>) target_semaphore(%arg11 : memref<!tpu.dma_semaphore, #tpu.memory_space<semaphore_mem>>)
    %dma_start3A_4 = tpu.memref_slice %arg4[%mul3A_2] : memref<2048xi32, #tpu.memory_space<hbm>> -> memref<64xi32, #tpu.memory_space<hbm>>
    %dma_start3A_5 = tpu.memref_slice %arg4[%mul3A_2] : memref<2048xi32, #tpu.memory_space<hbm>> -> memref<64xi32, #tpu.memory_space<hbm>>
    tpu.enqueue_dma source(%dma_start3A_5 : memref<64xi32, #tpu.memory_space<hbm>>) target(%arg8 : memref<64xi32, #tpu.memory_space<vmem>>) target_semaphore(%arg11 : memref<!tpu.dma_semaphore, #tpu.memory_space<semaphore_mem>>)
    %dma_wait3A = tpu.memref_slice %arg3[%mul3A_2] : memref<2048xi32, #tpu.memory_space<hbm>> -> memref<64xi32, #tpu.memory_space<hbm>>
    %dma_wait3A_6 = tpu.memref_slice %arg3[%mul3A_2] : memref<2048xi32, #tpu.memory_space<hbm>> -> memref<64xi32, #tpu.memory_space<hbm>>
    tpu.wait_dma2 semaphore(%arg11 : memref<!tpu.dma_semaphore, #tpu.memory_space<semaphore_mem>>) src(%dma_wait3A_6 : memref<64xi32, #tpu.memory_space<hbm>>) dst(%arg7 : memref<64xi32, #tpu.memory_space<vmem>>)
    %dma_wait3A_7 = tpu.memref_slice %arg4[%mul3A_2] : memref<2048xi32, #tpu.memory_space<hbm>> -> memref<64xi32, #tpu.memory_space<hbm>>
    %dma_wait3A_8 = tpu.memref_slice %arg4[%mul3A_2] : memref<2048xi32, #tpu.memory_space<hbm>> -> memref<64xi32, #tpu.memory_space<hbm>>
    tpu.wait_dma2 semaphore(%arg11 : memref<!tpu.dma_semaphore, #tpu.memory_space<semaphore_mem>>) src(%dma_wait3A_8 : memref<64xi32, #tpu.memory_space<hbm>>) dst(%arg8 : memref<64xi32, #tpu.memory_space<vmem>>)
    %dma_start3A_9 = arith.constant 0 : i32
    %dma_start3A_10 = tpu.memref_slice %arg7[%dma_start3A_9] : memref<64xi32, #tpu.memory_space<vmem>> -> memref<32xi32, #tpu.memory_space<vmem>>
    %dma_start3A_11 = arith.constant 0 : i32
    %dma_start3A_12 = arith.constant 0 : i32
    %dma_start3A_13 = tpu.memref_slice %arg2[%dma_start3A_11, %dma_start3A_12] : memref<8448x1024xf32, #tpu.memory_space<hbm>> -> memref<8448x1024xf32, #tpu.memory_space<hbm>>
    tpu.enqueue_indirect_dma source(%dma_start3A_13 : memref<8448x1024xf32, #tpu.memory_space<hbm>>) target(%arg9 : memref<32x1024xf32, #tpu.memory_space<vmem>>) offsets(%dma_start3A_10 : memref<32xi32, #tpu.memory_space<vmem>>) semaphore(%arg11 : memref<!tpu.dma_semaphore, #tpu.memory_space<semaphore_mem>>)
    %dma_start3A_14 = arith.constant 0 : i32
    %dma_start3A_15 = tpu.memref_slice %arg8[%dma_start3A_14] : memref<64xi32, #tpu.memory_space<vmem>> -> memref<32xi32, #tpu.memory_space<vmem>>
    %dma_start3A_16 = arith.constant 0 : i32
    %dma_start3A_17 = arith.constant 0 : i32
    %dma_start3A_18 = tpu.memref_slice %arg2[%dma_start3A_16, %dma_start3A_17] : memref<8448x1024xf32, #tpu.memory_space<hbm>> -> memref<8448x1024xf32, #tpu.memory_space<hbm>>
    tpu.enqueue_indirect_dma source(%dma_start3A_18 : memref<8448x1024xf32, #tpu.memory_space<hbm>>) target(%arg10 : memref<32x1024xf32, #tpu.memory_space<vmem>>) offsets(%dma_start3A_15 : memref<32xi32, #tpu.memory_space<vmem>>) semaphore(%arg11 : memref<!tpu.dma_semaphore, #tpu.memory_space<semaphore_mem>>)
    %dma_wait3A_19 = arith.constant 0 : i32
    %dma_wait3A_20 = tpu.memref_slice %arg7[%dma_wait3A_19] : memref<64xi32, #tpu.memory_space<vmem>> -> memref<32xi32, #tpu.memory_space<vmem>>
    %dma_wait3A_21 = arith.constant 0 : i32
    %dma_wait3A_22 = arith.constant 0 : i32
    %dma_wait3A_23 = tpu.memref_slice %arg2[%dma_wait3A_21, %dma_wait3A_22] : memref<8448x1024xf32, #tpu.memory_space<hbm>> -> memref<8448x1024xf32, #tpu.memory_space<hbm>>
    tpu.wait_indirect_dma semaphore(%arg11 : memref<!tpu.dma_semaphore, #tpu.memory_space<semaphore_mem>>) src(%dma_wait3A_23 : memref<8448x1024xf32, #tpu.memory_space<hbm>>) dst(%arg9 : memref<32x1024xf32, #tpu.memory_space<vmem>>)
    %dma_wait3A_24 = arith.constant 0 : i32
    %dma_wait3A_25 = tpu.memref_slice %arg8[%dma_wait3A_24] : memref<64xi32, #tpu.memory_space<vmem>> -> memref<32xi32, #tpu.memory_space<vmem>>
    %dma_wait3A_26 = arith.constant 0 : i32
    %dma_wait3A_27 = arith.constant 0 : i32
    %dma_wait3A_28 = tpu.memref_slice %arg2[%dma_wait3A_26, %dma_wait3A_27] : memref<8448x1024xf32, #tpu.memory_space<hbm>> -> memref<8448x1024xf32, #tpu.memory_space<hbm>>
    tpu.wait_indirect_dma semaphore(%arg11 : memref<!tpu.dma_semaphore, #tpu.memory_space<semaphore_mem>>) src(%dma_wait3A_28 : memref<8448x1024xf32, #tpu.memory_space<hbm>>) dst(%arg10 : memref<32x1024xf32, #tpu.memory_space<vmem>>)
    %add3A_29 = arith.constant 0 : i32
    %add3A_30 = arith.addi %mul3A_2, %add3A_29 : i32
    %dma_start3A_31 = arith.constant 0 : i32
    %dma_start3A_32 = tpu.memref_slice %arg5[%add3A_30, %dma_start3A_31] : memref<2048x1024xf32, #tpu.memory_space<hbm>> -> memref<32x1024xf32, #tpu.memory_space<hbm>>
    %dma_start3A_33 = arith.constant 0 : i32
    %dma_start3A_34 = tpu.memref_slice %arg5[%add3A_30, %dma_start3A_33] : memref<2048x1024xf32, #tpu.memory_space<hbm>> -> memref<32x1024xf32, #tpu.memory_space<hbm>>
    tpu.enqueue_dma source(%arg9 : memref<32x1024xf32, #tpu.memory_space<vmem>>) target(%dma_start3A_34 : memref<32x1024xf32, #tpu.memory_space<hbm>>) target_semaphore(%arg11 : memref<!tpu.dma_semaphore, #tpu.memory_space<semaphore_mem>>)
    %add3A_35 = arith.constant 0 : i32
    %add3A_36 = arith.addi %mul3A_2, %add3A_35 : i32
    %dma_start3A_37 = arith.constant 0 : i32
    %dma_start3A_38 = tpu.memref_slice %arg6[%add3A_36, %dma_start3A_37] : memref<2048x1024xf32, #tpu.memory_space<hbm>> -> memref<32x1024xf32, #tpu.memory_space<hbm>>
    %dma_start3A_39 = arith.constant 0 : i32
    %dma_start3A_40 = tpu.memref_slice %arg6[%add3A_36, %dma_start3A_39] : memref<2048x1024xf32, #tpu.memory_space<hbm>> -> memref<32x1024xf32, #tpu.memory_space<hbm>>
    tpu.enqueue_dma source(%arg10 : memref<32x1024xf32, #tpu.memory_space<vmem>>) target(%dma_start3A_40 : memref<32x1024xf32, #tpu.memory_space<hbm>>) target_semaphore(%arg11 : memref<!tpu.dma_semaphore, #tpu.memory_space<semaphore_mem>>)
    %dma_wait3A_41 = arith.constant 0 : i32
    %dma_wait3A_42 = tpu.memref_slice %arg5[%add3A_30, %dma_wait3A_41] : memref<2048x1024xf32, #tpu.memory_space<hbm>> -> memref<32x1024xf32, #tpu.memory_space<hbm>>
    %dma_wait3A_43 = arith.constant 0 : i32
    %dma_wait3A_44 = tpu.memref_slice %arg5[%add3A_30, %dma_wait3A_43] : memref<2048x1024xf32, #tpu.memory_space<hbm>> -> memref<32x1024xf32, #tpu.memory_space<hbm>>
    tpu.wait_dma2 semaphore(%arg11 : memref<!tpu.dma_semaphore, #tpu.memory_space<semaphore_mem>>) src(%arg9 : memref<32x1024xf32, #tpu.memory_space<vmem>>) dst(%dma_wait3A_44 : memref<32x1024xf32, #tpu.memory_space<hbm>>)
    %dma_wait3A_45 = arith.constant 0 : i32
    %dma_wait3A_46 = tpu.memref_slice %arg6[%add3A_36, %dma_wait3A_45] : memref<2048x1024xf32, #tpu.memory_space<hbm>> -> memref<32x1024xf32, #tpu.memory_space<hbm>>
    %dma_wait3A_47 = arith.constant 0 : i32
    %dma_wait3A_48 = tpu.memref_slice %arg6[%add3A_36, %dma_wait3A_47] : memref<2048x1024xf32, #tpu.memory_space<hbm>> -> memref<32x1024xf32, #tpu.memory_space<hbm>>
    tpu.wait_dma2 semaphore(%arg11 : memref<!tpu.dma_semaphore, #tpu.memory_space<semaphore_mem>>) src(%arg10 : memref<32x1024xf32, #tpu.memory_space<vmem>>) dst(%dma_wait3A_48 : memref<32x1024xf32, #tpu.memory_space<hbm>>)
    %dma_start3A_49 = arith.constant 32 : i32
    %dma_start3A_50 = tpu.memref_slice %arg7[%dma_start3A_49] : memref<64xi32, #tpu.memory_space<vmem>> -> memref<32xi32, #tpu.memory_space<vmem>>
    %dma_start3A_51 = arith.constant 0 : i32
    %dma_start3A_52 = arith.constant 0 : i32
    %dma_start3A_53 = tpu.memref_slice %arg2[%dma_start3A_51, %dma_start3A_52] : memref<8448x1024xf32, #tpu.memory_space<hbm>> -> memref<8448x1024xf32, #tpu.memory_space<hbm>>
    tpu.enqueue_indirect_dma source(%dma_start3A_53 : memref<8448x1024xf32, #tpu.memory_space<hbm>>) target(%arg9 : memref<32x1024xf32, #tpu.memory_space<vmem>>) offsets(%dma_start3A_50 : memref<32xi32, #tpu.memory_space<vmem>>) semaphore(%arg11 : memref<!tpu.dma_semaphore, #tpu.memory_space<semaphore_mem>>)
    %dma_start3A_54 = arith.constant 32 : i32
    %dma_start3A_55 = tpu.memref_slice %arg8[%dma_start3A_54] : memref<64xi32, #tpu.memory_space<vmem>> -> memref<32xi32, #tpu.memory_space<vmem>>
    %dma_start3A_56 = arith.constant 0 : i32
    %dma_start3A_57 = arith.constant 0 : i32
    %dma_start3A_58 = tpu.memref_slice %arg2[%dma_start3A_56, %dma_start3A_57] : memref<8448x1024xf32, #tpu.memory_space<hbm>> -> memref<8448x1024xf32, #tpu.memory_space<hbm>>
    tpu.enqueue_indirect_dma source(%dma_start3A_58 : memref<8448x1024xf32, #tpu.memory_space<hbm>>) target(%arg10 : memref<32x1024xf32, #tpu.memory_space<vmem>>) offsets(%dma_start3A_55 : memref<32xi32, #tpu.memory_space<vmem>>) semaphore(%arg11 : memref<!tpu.dma_semaphore, #tpu.memory_space<semaphore_mem>>)
    %dma_wait3A_59 = arith.constant 32 : i32
    %dma_wait3A_60 = tpu.memref_slice %arg7[%dma_wait3A_59] : memref<64xi32, #tpu.memory_space<vmem>> -> memref<32xi32, #tpu.memory_space<vmem>>
    %dma_wait3A_61 = arith.constant 0 : i32
    %dma_wait3A_62 = arith.constant 0 : i32
    %dma_wait3A_63 = tpu.memref_slice %arg2[%dma_wait3A_61, %dma_wait3A_62] : memref<8448x1024xf32, #tpu.memory_space<hbm>> -> memref<8448x1024xf32, #tpu.memory_space<hbm>>
    tpu.wait_indirect_dma semaphore(%arg11 : memref<!tpu.dma_semaphore, #tpu.memory_space<semaphore_mem>>) src(%dma_wait3A_63 : memref<8448x1024xf32, #tpu.memory_space<hbm>>) dst(%arg9 : memref<32x1024xf32, #tpu.memory_space<vmem>>)
    %dma_wait3A_64 = arith.constant 32 : i32
    %dma_wait3A_65 = tpu.memref_slice %arg8[%dma_wait3A_64] : memref<64xi32, #tpu.memory_space<vmem>> -> memref<32xi32, #tpu.memory_space<vmem>>
    %dma_wait3A_66 = arith.constant 0 : i32
    %dma_wait3A_67 = arith.constant 0 : i32
    %dma_wait3A_68 = tpu.memref_slice %arg2[%dma_wait3A_66, %dma_wait3A_67] : memref<8448x1024xf32, #tpu.memory_space<hbm>> -> memref<8448x1024xf32, #tpu.memory_space<hbm>>
    tpu.wait_indirect_dma semaphore(%arg11 : memref<!tpu.dma_semaphore, #tpu.memory_space<semaphore_mem>>) src(%dma_wait3A_68 : memref<8448x1024xf32, #tpu.memory_space<hbm>>) dst(%arg10 : memref<32x1024xf32, #tpu.memory_space<vmem>>)
    %add3A_69 = arith.constant 32 : i32
    %add3A_70 = arith.addi %mul3A_2, %add3A_69 : i32
    %dma_start3A_71 = arith.constant 0 : i32
    %dma_start3A_72 = tpu.memref_slice %arg5[%add3A_70, %dma_start3A_71] : memref<2048x1024xf32, #tpu.memory_space<hbm>> -> memref<32x1024xf32, #tpu.memory_space<hbm>>
    %dma_start3A_73 = arith.constant 0 : i32
    %dma_start3A_74 = tpu.memref_slice %arg5[%add3A_70, %dma_start3A_73] : memref<2048x1024xf32, #tpu.memory_space<hbm>> -> memref<32x1024xf32, #tpu.memory_space<hbm>>
    tpu.enqueue_dma source(%arg9 : memref<32x1024xf32, #tpu.memory_space<vmem>>) target(%dma_start3A_74 : memref<32x1024xf32, #tpu.memory_space<hbm>>) target_semaphore(%arg11 : memref<!tpu.dma_semaphore, #tpu.memory_space<semaphore_mem>>)
    %add3A_75 = arith.constant 32 : i32
    %add3A_76 = arith.addi %mul3A_2, %add3A_75 : i32
    %dma_start3A_77 = arith.constant 0 : i32
    %dma_start3A_78 = tpu.memref_slice %arg6[%add3A_76, %dma_start3A_77] : memref<2048x1024xf32, #tpu.memory_space<hbm>> -> memref<32x1024xf32, #tpu.memory_space<hbm>>
    %dma_start3A_79 = arith.constant 0 : i32
    %dma_start3A_80 = tpu.memref_slice %arg6[%add3A_76, %dma_start3A_79] : memref<2048x1024xf32, #tpu.memory_space<hbm>> -> memref<32x1024xf32, #tpu.memory_space<hbm>>
    tpu.enqueue_dma source(%arg10 : memref<32x1024xf32, #tpu.memory_space<vmem>>) target(%dma_start3A_80 : memref<32x1024xf32, #tpu.memory_space<hbm>>) target_semaphore(%arg11 : memref<!tpu.dma_semaphore, #tpu.memory_space<semaphore_mem>>)
    %dma_wait3A_81 = arith.constant 0 : i32
    %dma_wait3A_82 = tpu.memref_slice %arg5[%add3A_70, %dma_wait3A_81] : memref<2048x1024xf32, #tpu.memory_space<hbm>> -> memref<32x1024xf32, #tpu.memory_space<hbm>>
    %dma_wait3A_83 = arith.constant 0 : i32
    %dma_wait3A_84 = tpu.memref_slice %arg5[%add3A_70, %dma_wait3A_83] : memref<2048x1024xf32, #tpu.memory_space<hbm>> -> memref<32x1024xf32, #tpu.memory_space<hbm>>
    tpu.wait_dma2 semaphore(%arg11 : memref<!tpu.dma_semaphore, #tpu.memory_space<semaphore_mem>>) src(%arg9 : memref<32x1024xf32, #tpu.memory_space<vmem>>) dst(%dma_wait3A_84 : memref<32x1024xf32, #tpu.memory_space<hbm>>)
    %dma_wait3A_85 = arith.constant 0 : i32
    %dma_wait3A_86 = tpu.memref_slice %arg6[%add3A_76, %dma_wait3A_85] : memref<2048x1024xf32, #tpu.memory_space<hbm>> -> memref<32x1024xf32, #tpu.memory_space<hbm>>
    %dma_wait3A_87 = arith.constant 0 : i32
    %dma_wait3A_88 = tpu.memref_slice %arg6[%add3A_76, %dma_wait3A_87] : memref<2048x1024xf32, #tpu.memory_space<hbm>> -> memref<32x1024xf32, #tpu.memory_space<hbm>>
    tpu.wait_dma2 semaphore(%arg11 : memref<!tpu.dma_semaphore, #tpu.memory_space<semaphore_mem>>) src(%arg10 : memref<32x1024xf32, #tpu.memory_space<vmem>>) dst(%dma_wait3A_88 : memref<32x1024xf32, #tpu.memory_space<hbm>>)
    return
  }
}

#map = affine_map<(d0, d1) -> (0, 0)>
#map1 = affine_map<(d0, d1) -> (0)>
module attributes {stable_mosaic.version = 14 : i64} {
  func.func @dispatch(%arg0: i32, %arg1: i32, %arg2: memref<2048x1024xf32, #tpu.memory_space<hbm>>, %arg3: memref<2048xi32, #tpu.memory_space<hbm>>, %arg4: memref<2048xi32, #tpu.memory_space<hbm>>, %arg5: memref<8192x1024xf32, #tpu.memory_space<hbm>>, %arg6: memref<64xi32, #tpu.memory_space<vmem>>, %arg7: memref<64xi32, #tpu.memory_space<vmem>>, %arg8: memref<64x1024xf32, #tpu.memory_space<vmem>>, %arg9: memref<!tpu.dma_semaphore, #tpu.memory_space<semaphore_mem>>) attributes {dimension_semantics = [#tpu.dimension_semantics<core_parallel>, #tpu.dimension_semantics<subcore_parallel>], iteration_bounds = array<i64: 2, 16>, scalar_prefetch = 0 : i64, scratch_operands = 4 : i64, tpu.core_type = #tpu.core_type<sc_vector_subcore>, window_params = [{transform_indices = #map}, {transform_indices = #map1}, {transform_indices = #map1}, {transform_indices = #map}]} {
    %mul3A = arith.constant 2 : i32
    %mul3A_0 = arith.muli %arg1, %mul3A : i32
    %add3A = arith.addi %mul3A_0, %arg0 : i32
    %mul3A_1 = arith.constant 64 : i32
    %mul3A_2 = arith.muli %add3A, %mul3A_1 : i32
    %dma_start3A = arith.constant 0 : i32
    %dma_start3A_3 = tpu.memref_slice %arg2[%mul3A_2, %dma_start3A] : memref<2048x1024xf32, #tpu.memory_space<hbm>> -> memref<64x1024xf32, #tpu.memory_space<hbm>>
    %dma_start3A_4 = arith.constant 0 : i32
    %dma_start3A_5 = tpu.memref_slice %arg2[%mul3A_2, %dma_start3A_4] : memref<2048x1024xf32, #tpu.memory_space<hbm>> -> memref<64x1024xf32, #tpu.memory_space<hbm>>
    tpu.enqueue_dma source(%dma_start3A_5 : memref<64x1024xf32, #tpu.memory_space<hbm>>) target(%arg8 : memref<64x1024xf32, #tpu.memory_space<vmem>>) target_semaphore(%arg9 : memref<!tpu.dma_semaphore, #tpu.memory_space<semaphore_mem>>)
    %dma_start3A_6 = tpu.memref_slice %arg3[%mul3A_2] : memref<2048xi32, #tpu.memory_space<hbm>> -> memref<64xi32, #tpu.memory_space<hbm>>
    %dma_start3A_7 = tpu.memref_slice %arg3[%mul3A_2] : memref<2048xi32, #tpu.memory_space<hbm>> -> memref<64xi32, #tpu.memory_space<hbm>>
    tpu.enqueue_dma source(%dma_start3A_7 : memref<64xi32, #tpu.memory_space<hbm>>) target(%arg6 : memref<64xi32, #tpu.memory_space<vmem>>) target_semaphore(%arg9 : memref<!tpu.dma_semaphore, #tpu.memory_space<semaphore_mem>>)
    %dma_start3A_8 = tpu.memref_slice %arg4[%mul3A_2] : memref<2048xi32, #tpu.memory_space<hbm>> -> memref<64xi32, #tpu.memory_space<hbm>>
    %dma_start3A_9 = tpu.memref_slice %arg4[%mul3A_2] : memref<2048xi32, #tpu.memory_space<hbm>> -> memref<64xi32, #tpu.memory_space<hbm>>
    tpu.enqueue_dma source(%dma_start3A_9 : memref<64xi32, #tpu.memory_space<hbm>>) target(%arg7 : memref<64xi32, #tpu.memory_space<vmem>>) target_semaphore(%arg9 : memref<!tpu.dma_semaphore, #tpu.memory_space<semaphore_mem>>)
    %dma_wait3A = arith.constant 0 : i32
    %dma_wait3A_10 = tpu.memref_slice %arg2[%mul3A_2, %dma_wait3A] : memref<2048x1024xf32, #tpu.memory_space<hbm>> -> memref<64x1024xf32, #tpu.memory_space<hbm>>
    %dma_wait3A_11 = arith.constant 0 : i32
    %dma_wait3A_12 = tpu.memref_slice %arg2[%mul3A_2, %dma_wait3A_11] : memref<2048x1024xf32, #tpu.memory_space<hbm>> -> memref<64x1024xf32, #tpu.memory_space<hbm>>
    tpu.wait_dma2 semaphore(%arg9 : memref<!tpu.dma_semaphore, #tpu.memory_space<semaphore_mem>>) src(%dma_wait3A_12 : memref<64x1024xf32, #tpu.memory_space<hbm>>) dst(%arg8 : memref<64x1024xf32, #tpu.memory_space<vmem>>)
    %dma_wait3A_13 = tpu.memref_slice %arg3[%mul3A_2] : memref<2048xi32, #tpu.memory_space<hbm>> -> memref<64xi32, #tpu.memory_space<hbm>>
    %dma_wait3A_14 = tpu.memref_slice %arg3[%mul3A_2] : memref<2048xi32, #tpu.memory_space<hbm>> -> memref<64xi32, #tpu.memory_space<hbm>>
    tpu.wait_dma2 semaphore(%arg9 : memref<!tpu.dma_semaphore, #tpu.memory_space<semaphore_mem>>) src(%dma_wait3A_14 : memref<64xi32, #tpu.memory_space<hbm>>) dst(%arg6 : memref<64xi32, #tpu.memory_space<vmem>>)
    %dma_wait3A_15 = tpu.memref_slice %arg4[%mul3A_2] : memref<2048xi32, #tpu.memory_space<hbm>> -> memref<64xi32, #tpu.memory_space<hbm>>
    %dma_wait3A_16 = tpu.memref_slice %arg4[%mul3A_2] : memref<2048xi32, #tpu.memory_space<hbm>> -> memref<64xi32, #tpu.memory_space<hbm>>
    tpu.wait_dma2 semaphore(%arg9 : memref<!tpu.dma_semaphore, #tpu.memory_space<semaphore_mem>>) src(%dma_wait3A_16 : memref<64xi32, #tpu.memory_space<hbm>>) dst(%arg7 : memref<64xi32, #tpu.memory_space<vmem>>)
    %dma_start3A_17 = arith.constant 0 : i32
    %dma_start3A_18 = arith.constant 0 : i32
    %dma_start3A_19 = tpu.memref_slice %arg5[%dma_start3A_17, %dma_start3A_18] : memref<8192x1024xf32, #tpu.memory_space<hbm>> -> memref<8192x1024xf32, #tpu.memory_space<hbm>>
    tpu.enqueue_indirect_dma source(%arg8 : memref<64x1024xf32, #tpu.memory_space<vmem>>) target(%dma_start3A_19 : memref<8192x1024xf32, #tpu.memory_space<hbm>>) offsets(%arg6 : memref<64xi32, #tpu.memory_space<vmem>>) semaphore(%arg9 : memref<!tpu.dma_semaphore, #tpu.memory_space<semaphore_mem>>)
    %dma_start3A_20 = arith.constant 0 : i32
    %dma_start3A_21 = arith.constant 0 : i32
    %dma_start3A_22 = tpu.memref_slice %arg5[%dma_start3A_20, %dma_start3A_21] : memref<8192x1024xf32, #tpu.memory_space<hbm>> -> memref<8192x1024xf32, #tpu.memory_space<hbm>>
    tpu.enqueue_indirect_dma source(%arg8 : memref<64x1024xf32, #tpu.memory_space<vmem>>) target(%dma_start3A_22 : memref<8192x1024xf32, #tpu.memory_space<hbm>>) offsets(%arg7 : memref<64xi32, #tpu.memory_space<vmem>>) semaphore(%arg9 : memref<!tpu.dma_semaphore, #tpu.memory_space<semaphore_mem>>)
    %dma_wait3A_23 = arith.constant 0 : i32
    %dma_wait3A_24 = arith.constant 0 : i32
    %dma_wait3A_25 = tpu.memref_slice %arg5[%dma_wait3A_23, %dma_wait3A_24] : memref<8192x1024xf32, #tpu.memory_space<hbm>> -> memref<8192x1024xf32, #tpu.memory_space<hbm>>
    tpu.wait_indirect_dma semaphore(%arg9 : memref<!tpu.dma_semaphore, #tpu.memory_space<semaphore_mem>>) src(%arg8 : memref<64x1024xf32, #tpu.memory_space<vmem>>) dst(%dma_wait3A_25 : memref<8192x1024xf32, #tpu.memory_space<hbm>>)
    %dma_wait3A_26 = arith.constant 0 : i32
    %dma_wait3A_27 = arith.constant 0 : i32
    %dma_wait3A_28 = tpu.memref_slice %arg5[%dma_wait3A_26, %dma_wait3A_27] : memref<8192x1024xf32, #tpu.memory_space<hbm>> -> memref<8192x1024xf32, #tpu.memory_space<hbm>>
    tpu.wait_indirect_dma semaphore(%arg9 : memref<!tpu.dma_semaphore, #tpu.memory_space<semaphore_mem>>) src(%arg8 : memref<64x1024xf32, #tpu.memory_space<vmem>>) dst(%dma_wait3A_28 : memref<8192x1024xf32, #tpu.memory_space<hbm>>)
    return
  }
}

module attributes {stable_mosaic.version = 14 : i64} {
  func.func @_gmm_body(%arg0: i32, %arg1: memref<33xi32, #tpu.memory_space<smem>>, %arg2: memref<256x1024xf32, #tpu.memory_space<vmem>>, %arg3: memref<1x512x1024xf32, #tpu.memory_space<vmem>>, %arg4: memref<1x512x1024xf32, #tpu.memory_space<vmem>>, %arg5: memref<1x1024x512xf32, #tpu.memory_space<vmem>>, %arg6: memref<256x1024xf32, #tpu.memory_space<vmem>>) attributes {dimension_semantics = [#tpu.dimension_semantics<arbitrary>], iteration_bounds = array<i64: 32>, scalar_prefetch = 1 : i64, scratch_operands = 0 : i64, tpu.core_type = #tpu.core_type<tc>, window_params = [{transform_indices = @transform_0, window_bounds = array<i64: 256, 1024>}, {transform_indices = @transform_1, window_bounds = array<i64: 1, 512, 1024>}, {transform_indices = @transform_2, window_bounds = array<i64: 1, 512, 1024>}, {transform_indices = @transform_3, window_bounds = array<i64: 1, 1024, 512>}, {transform_indices = @transform_4, window_bounds = array<i64: 256, 1024>}]} {
    %get3A = arith.constant 32 : index
    %get3A_0 = memref.load %arg1[%get3A] : memref<33xi32, #tpu.memory_space<smem>>
    %lt3A = arith.cmpi slt, %arg0, %get3A_0 : i32
    %convert_element_type3A = arith.extui %lt3A : i1 to i32
    %cond3A = arith.constant 0 : i32
    %cond3A_1 = arith.cmpi ne, %convert_element_type3A, %cond3A : i32
    scf.if %cond3A_1 {
      %get3A_2 = arith.constant 0 : index
      %get3A_3 = arith.constant 0 : index
      %get3A_4 = vector.load %arg2[%get3A_2, %get3A_3] : memref<256x1024xf32, #tpu.memory_space<vmem>>, vector<256x1024xf32>
      %get3A_5 = arith.constant 0 : index
      %get3A_6 = arith.constant 0 : index
      %get3A_7 = arith.constant 0 : index
      %get3A_8 = vector.load %arg3[%get3A_5, %get3A_6, %get3A_7] : memref<1x512x1024xf32, #tpu.memory_space<vmem>>, vector<1x512x1024xf32>
      %get3A_9 = vector.shape_cast %get3A_8 : vector<1x512x1024xf32> to vector<512x1024xf32>
      %dot_general3A = arith.constant dense<0.000000e+00> : vector<256x512xf32>
      %dot_general3A_10 = tpu.matmul %get3A_4, %get3A_9, %dot_general3A {dimension_numbers = #tpu.dot_dimension_numbers<[1], [1], [0], [0], [0, 0, 1, 0], [], []>, transpose_lhs_hint = false} : vector<256x1024xf32>, vector<512x1024xf32>, vector<256x512xf32> -> vector<256x512xf32>
      %get3A_11 = arith.constant 0 : index
      %get3A_12 = arith.constant 0 : index
      %get3A_13 = arith.constant 0 : index
      %get3A_14 = vector.load %arg4[%get3A_11, %get3A_12, %get3A_13] : memref<1x512x1024xf32, #tpu.memory_space<vmem>>, vector<1x512x1024xf32>
      %get3A_15 = vector.shape_cast %get3A_14 : vector<1x512x1024xf32> to vector<512x1024xf32>
      %dot_general3A_16 = arith.constant dense<0.000000e+00> : vector<256x512xf32>
      %dot_general3A_17 = tpu.matmul %get3A_4, %get3A_15, %dot_general3A_16 {dimension_numbers = #tpu.dot_dimension_numbers<[1], [1], [0], [0], [0, 0, 1, 0], [], []>, transpose_lhs_hint = false} : vector<256x1024xf32>, vector<512x1024xf32>, vector<256x512xf32> -> vector<256x512xf32>
      %logistic3A = arith.negf %dot_general3A_10 : vector<256x512xf32>
      %logistic3A_18 = math.exp %logistic3A : vector<256x512xf32>
      %logistic3A_19 = arith.constant 1.000000e+00 : f32
      %logistic3A_20 = vector.broadcast %logistic3A_19 : f32 to vector<256x512xf32>
      %logistic3A_21 = arith.addf %logistic3A_20, %logistic3A_18 : vector<256x512xf32>
      %logistic3A_22 = arith.divf %logistic3A_20, %logistic3A_21 : vector<256x512xf32>
      %mul3A = arith.mulf %dot_general3A_10, %logistic3A_22 : vector<256x512xf32>
      %mul3A_23 = arith.mulf %mul3A, %dot_general3A_17 : vector<256x512xf32>
      %get3A_24 = arith.constant 0 : index
      %get3A_25 = arith.constant 0 : index
      %get3A_26 = arith.constant 0 : index
      %get3A_27 = vector.load %arg5[%get3A_24, %get3A_25, %get3A_26] : memref<1x1024x512xf32, #tpu.memory_space<vmem>>, vector<1x1024x512xf32>
      %get3A_28 = vector.shape_cast %get3A_27 : vector<1x1024x512xf32> to vector<1024x512xf32>
      %dot_general3A_29 = arith.constant dense<0.000000e+00> : vector<256x1024xf32>
      %dot_general3A_30 = tpu.matmul %mul3A_23, %get3A_28, %dot_general3A_29 {dimension_numbers = #tpu.dot_dimension_numbers<[1], [1], [0], [0], [0, 0, 1, 0], [], []>, transpose_lhs_hint = false} : vector<256x512xf32>, vector<1024x512xf32>, vector<256x1024xf32> -> vector<256x1024xf32>
      %swap3A = arith.constant 0 : index
      %swap3A_31 = arith.constant 0 : index
      %swap3A_32 = vector.load %arg6[%swap3A, %swap3A_31] : memref<256x1024xf32, #tpu.memory_space<vmem>>, vector<256x1024xf32>
      tpu.vector_store %arg6[%swap3A, %swap3A_31], %dot_general3A_30 {strides = array<i32>} : memref<256x1024xf32, #tpu.memory_space<vmem>>, vector<256x1024xf32>,
    } else {
    }
    return
  }
  func.func @transform_0(%arg0: i32, %arg1: memref<33xi32, #tpu.memory_space<smem>>) -> (i32, i32) {
    %get3A = arith.constant 32 : index
    %get3A_0 = memref.load %arg1[%get3A] : memref<33xi32, #tpu.memory_space<smem>>
    %lt3A = arith.cmpi slt, %arg0, %get3A_0 : i32
    %jit3A = arith.constant 0 : i32
    %select_n3A = arith.select %lt3A, %arg0, %jit3A : i32
    %c0_i32 = arith.constant 0 : i32
    %c0_i32_1 = arith.constant 0 : i32
    return %select_n3A, %c0_i32 : i32, i32
  }
  func.func @transform_1(%arg0: i32, %arg1: memref<33xi32, #tpu.memory_space<smem>>) -> (i32, i32, i32) {
    %get3A = arith.index_cast %arg0 : i32 to index
    %get3A_0 = memref.load %arg1[%get3A] : memref<33xi32, #tpu.memory_space<smem>>
    %c0_i32 = arith.constant 0 : i32
    %c0_i32_1 = arith.constant 0 : i32
    %c0_i32_2 = arith.constant 0 : i32
    return %get3A_0, %c0_i32, %c0_i32_1 : i32, i32, i32
  }
  func.func @transform_2(%arg0: i32, %arg1: memref<33xi32, #tpu.memory_space<smem>>) -> (i32, i32, i32) {
    %get3A = arith.index_cast %arg0 : i32 to index
    %get3A_0 = memref.load %arg1[%get3A] : memref<33xi32, #tpu.memory_space<smem>>
    %c0_i32 = arith.constant 0 : i32
    %c0_i32_1 = arith.constant 0 : i32
    %c0_i32_2 = arith.constant 0 : i32
    return %get3A_0, %c0_i32, %c0_i32_1 : i32, i32, i32
  }
  func.func @transform_3(%arg0: i32, %arg1: memref<33xi32, #tpu.memory_space<smem>>) -> (i32, i32, i32) {
    %get3A = arith.index_cast %arg0 : i32 to index
    %get3A_0 = memref.load %arg1[%get3A] : memref<33xi32, #tpu.memory_space<smem>>
    %c0_i32 = arith.constant 0 : i32
    %c0_i32_1 = arith.constant 0 : i32
    %c0_i32_2 = arith.constant 0 : i32
    return %get3A_0, %c0_i32, %c0_i32_1 : i32, i32, i32
  }
  func.func @transform_4(%arg0: i32, %arg1: memref<33xi32, #tpu.memory_space<smem>>) -> (i32, i32) {
    %get3A = arith.constant 32 : index
    %get3A_0 = memref.load %arg1[%get3A] : memref<33xi32, #tpu.memory_space<smem>>
    %lt3A = arith.cmpi slt, %arg0, %get3A_0 : i32
    %jit3A = arith.constant 32 : i32
    %select_n3A = arith.select %lt3A, %arg0, %jit3A : i32
    %c0_i32 = arith.constant 0 : i32
    %c0_i32_1 = arith.constant 0 : i32
    return %select_n3A, %c0_i32 : i32, i32
  }
}

module attributes {stable_mosaic.version = 14 : i64} {
  func.func @_shared_body(%arg0: i32, %arg1: memref<512x1024xf32, #tpu.memory_space<vmem>>, %arg2: memref<512x1024xf32, #tpu.memory_space<vmem>>, %arg3: memref<512x1024xf32, #tpu.memory_space<vmem>>, %arg4: memref<1024x512xf32, #tpu.memory_space<vmem>>, %arg5: memref<1x1024xf32, #tpu.memory_space<vmem>>, %arg6: memref<512x1024xf32, #tpu.memory_space<vmem>>) attributes {dimension_semantics = [#tpu.dimension_semantics<arbitrary>], iteration_bounds = array<i64: 4>, scalar_prefetch = 0 : i64, scratch_operands = 0 : i64, tpu.core_type = #tpu.core_type<tc>, window_params = [{transform_indices = @transform_0, window_bounds = array<i64: 512, 1024>}, {pipeline_mode = #tpu.pipeline_mode<synchronous>, transform_indices = @transform_1, window_bounds = array<i64: 512, 1024>}, {pipeline_mode = #tpu.pipeline_mode<synchronous>, transform_indices = @transform_2, window_bounds = array<i64: 512, 1024>}, {pipeline_mode = #tpu.pipeline_mode<synchronous>, transform_indices = @transform_3, window_bounds = array<i64: 1024, 512>}, {pipeline_mode = #tpu.pipeline_mode<synchronous>, transform_indices = @transform_4, window_bounds = array<i64: 1, 1024>}, {transform_indices = @transform_5, window_bounds = array<i64: 512, 1024>}]} {
    %get3A = arith.constant 0 : index
    %get3A_0 = arith.constant 0 : index
    %get3A_1 = vector.load %arg1[%get3A, %get3A_0] : memref<512x1024xf32, #tpu.memory_space<vmem>>, vector<512x1024xf32>
    %get3A_2 = arith.constant 0 : index
    %get3A_3 = arith.constant 0 : index
    %get3A_4 = vector.load %arg2[%get3A_2, %get3A_3] : memref<512x1024xf32, #tpu.memory_space<vmem>>, vector<512x1024xf32>
    %dot_general3A = arith.constant dense<0.000000e+00> : vector<512x512xf32>
    %dot_general3A_5 = tpu.matmul %get3A_1, %get3A_4, %dot_general3A {dimension_numbers = #tpu.dot_dimension_numbers<[1], [1], [0], [0], [0, 0, 1, 0], [], []>, transpose_lhs_hint = false} : vector<512x1024xf32>, vector<512x1024xf32>, vector<512x512xf32> -> vector<512x512xf32>
    %get3A_6 = arith.constant 0 : index
    %get3A_7 = arith.constant 0 : index
    %get3A_8 = vector.load %arg3[%get3A_6, %get3A_7] : memref<512x1024xf32, #tpu.memory_space<vmem>>, vector<512x1024xf32>
    %dot_general3A_9 = arith.constant dense<0.000000e+00> : vector<512x512xf32>
    %dot_general3A_10 = tpu.matmul %get3A_1, %get3A_8, %dot_general3A_9 {dimension_numbers = #tpu.dot_dimension_numbers<[1], [1], [0], [0], [0, 0, 1, 0], [], []>, transpose_lhs_hint = false} : vector<512x1024xf32>, vector<512x1024xf32>, vector<512x512xf32> -> vector<512x512xf32>
    %logistic3A = arith.negf %dot_general3A_5 : vector<512x512xf32>
    %logistic3A_11 = math.exp %logistic3A : vector<512x512xf32>
    %logistic3A_12 = arith.constant 1.000000e+00 : f32
    %logistic3A_13 = vector.broadcast %logistic3A_12 : f32 to vector<512x512xf32>
    %logistic3A_14 = arith.addf %logistic3A_13, %logistic3A_11 : vector<512x512xf32>
    %logistic3A_15 = arith.divf %logistic3A_13, %logistic3A_14 : vector<512x512xf32>
    %mul3A = arith.mulf %dot_general3A_5, %logistic3A_15 : vector<512x512xf32>
    %mul3A_16 = arith.mulf %mul3A, %dot_general3A_10 : vector<512x512xf32>
    %get3A_17 = arith.constant 0 : index
    %get3A_18 = arith.constant 0 : index
    %get3A_19 = vector.load %arg4[%get3A_17, %get3A_18] : memref<1024x512xf32, #tpu.memory_space<vmem>>, vector<1024x512xf32>
    %dot_general3A_20 = arith.constant dense<0.000000e+00> : vector<512x1024xf32>
    %dot_general3A_21 = tpu.matmul %mul3A_16, %get3A_19, %dot_general3A_20 {dimension_numbers = #tpu.dot_dimension_numbers<[1], [1], [0], [0], [0, 0, 1, 0], [], []>, transpose_lhs_hint = false} : vector<512x512xf32>, vector<1024x512xf32>, vector<512x1024xf32> -> vector<512x1024xf32>
    %get3A_22 = arith.constant 0 : index
    %get3A_23 = arith.constant 0 : index
    %get3A_24 = vector.load %arg5[%get3A_22, %get3A_23] : memref<1x1024xf32, #tpu.memory_space<vmem>>, vector<1x1024xf32>
    %dot_general3A_25 = arith.constant dense<0.000000e+00> : vector<512x1xf32>
    %dot_general3A_26 = tpu.matmul %get3A_1, %get3A_24, %dot_general3A_25 {dimension_numbers = #tpu.dot_dimension_numbers<[1], [1], [0], [0], [0, 0, 1, 0], [], []>, transpose_lhs_hint = false} : vector<512x1024xf32>, vector<1x1024xf32>, vector<512x1xf32> -> vector<512x1xf32>
    %logistic3A_27 = arith.negf %dot_general3A_26 : vector<512x1xf32>
    %logistic3A_28 = math.exp %logistic3A_27 : vector<512x1xf32>
    %logistic3A_29 = arith.constant 1.000000e+00 : f32
    %logistic3A_30 = vector.broadcast %logistic3A_29 : f32 to vector<512x1xf32>
    %logistic3A_31 = arith.addf %logistic3A_30, %logistic3A_28 : vector<512x1xf32>
    %logistic3A_32 = arith.divf %logistic3A_30, %logistic3A_31 : vector<512x1xf32>
    %mul3A_33 = vector.broadcast %logistic3A_32 : vector<512x1xf32> to vector<512x1024xf32>
    %mul3A_34 = arith.mulf %mul3A_33, %dot_general3A_21 : vector<512x1024xf32>
    %swap3A = arith.constant 0 : index
    %swap3A_35 = arith.constant 0 : index
    %swap3A_36 = vector.load %arg6[%swap3A, %swap3A_35] : memref<512x1024xf32, #tpu.memory_space<vmem>>, vector<512x1024xf32>
    tpu.vector_store %arg6[%swap3A, %swap3A_35], %mul3A_34 {strides = array<i32>} : memref<512x1024xf32, #tpu.memory_space<vmem>>, vector<512x1024xf32>,
    return
  }
  func.func @transform_0(%arg0: i32) -> (i32, i32) {
    %c0_i32 = arith.constant 0 : i32
    %c0_i32_0 = arith.constant 0 : i32
    return %arg0, %c0_i32 : i32, i32
  }
  func.func @transform_1(%arg0: i32) -> (i32, i32) {
    %c0_i32 = arith.constant 0 : i32
    %c0_i32_0 = arith.constant 0 : i32
    %c0_i32_1 = arith.constant 0 : i32
    return %c0_i32, %c0_i32_0 : i32, i32
  }
  func.func @transform_2(%arg0: i32) -> (i32, i32) {
    %c0_i32 = arith.constant 0 : i32
    %c0_i32_0 = arith.constant 0 : i32
    %c0_i32_1 = arith.constant 0 : i32
    return %c0_i32, %c0_i32_0 : i32, i32
  }
  func.func @transform_3(%arg0: i32) -> (i32, i32) {
    %c0_i32 = arith.constant 0 : i32
    %c0_i32_0 = arith.constant 0 : i32
    %c0_i32_1 = arith.constant 0 : i32
    return %c0_i32, %c0_i32_0 : i32, i32
  }
  func.func @transform_4(%arg0: i32) -> (i32, i32) {
    %c0_i32 = arith.constant 0 : i32
    %c0_i32_0 = arith.constant 0 : i32
    %c0_i32_1 = arith.constant 0 : i32
    return %c0_i32, %c0_i32_0 : i32, i32
  }
  func.func @transform_5(%arg0: i32) -> (i32, i32) {
    %c0_i32 = arith.constant 0 : i32
    %c0_i32_0 = arith.constant 0 : i32
    return %arg0, %c0_i32 : i32, i32
  }
}

module attributes {stable_mosaic.version = 14 : i64} {
  func.func @_router_body(%arg0: memref<2048x1024xf32, #tpu.memory_space<vmem>>, %arg1: memref<16x1024xf32, #tpu.memory_space<vmem>>, %arg2: memref<2048x1xi32, #tpu.memory_space<vmem>>, %arg3: memref<2048x1xi32, #tpu.memory_space<vmem>>, %arg4: memref<2048x1xf32, #tpu.memory_space<vmem>>, %arg5: memref<2048x1xf32, #tpu.memory_space<vmem>>, %arg6: memref<64x1xi32, #tpu.memory_space<vmem>>) attributes {dimension_semantics = [], scalar_prefetch = 0 : i64, scratch_operands = 0 : i64, tpu.core_type = #tpu.core_type<tc>} {
    %get3A = arith.constant 0 : index
    %get3A_0 = arith.constant 0 : index
    %get3A_1 = vector.load %arg0[%get3A, %get3A_0] : memref<2048x1024xf32, #tpu.memory_space<vmem>>, vector<2048x1024xf32>
    %get3A_2 = arith.constant 0 : index
    %get3A_3 = arith.constant 0 : index
    %get3A_4 = vector.load %arg1[%get3A_2, %get3A_3] : memref<16x1024xf32, #tpu.memory_space<vmem>>, vector<16x1024xf32>
    %dot_general3A = arith.constant dense<0.000000e+00> : vector<2048x16xf32>
    %dot_general3A_5 = tpu.matmul %get3A_1, %get3A_4, %dot_general3A {dimension_numbers = #tpu.dot_dimension_numbers<[1], [1], [0], [0], [0, 0, 1, 0], [], []>, transpose_lhs_hint = false} : vector<2048x1024xf32>, vector<16x1024xf32>, vector<2048x16xf32> -> vector<2048x16xf32>
    %iota3A = tpu.iota {dimensions = array<i32: 1>} : vector<2048x16xi32>
    %reduce_max3A = arith.constant dense<0xFF800000> : vector<2048xf32>
    %reduce_max3A_6 = vector.multi_reduction <maximumf>, %dot_general3A_5, %reduce_max3A [1] : vector<2048x16xf32> to vector<2048xf32>
    %broadcast_in_dim3A = vector.shape_cast %reduce_max3A_6 : vector<2048xf32> to vector<2048x1xf32>
    %eq3A = vector.broadcast %broadcast_in_dim3A : vector<2048x1xf32> to vector<2048x16xf32>
    %eq3A_7 = arith.cmpf oeq, %dot_general3A_5, %eq3A : vector<2048x16xf32>
    %jit3A = arith.constant 16 : i32
    %broadcast_in_dim3A_8 = vector.broadcast %jit3A : i32 to vector<2048x16xi32>
    %select_n3A = arith.select %eq3A_7, %iota3A, %broadcast_in_dim3A_8 : vector<2048x16xi1>, vector<2048x16xi32>
    %reduce_min3A = arith.constant dense<2147483647> : vector<2048xi32>
    %reduce_min3A_9 = vector.multi_reduction <minsi>, %select_n3A, %reduce_min3A [1] : vector<2048x16xi32> to vector<2048xi32>
    %broadcast_in_dim3A_10 = vector.shape_cast %reduce_min3A_9 : vector<2048xi32> to vector<2048x1xi32>
    %eq3A_11 = vector.broadcast %broadcast_in_dim3A_10 : vector<2048x1xi32> to vector<2048x16xi32>
    %eq3A_12 = arith.cmpi eq, %iota3A, %eq3A_11 : vector<2048x16xi32>
    %jit3A_13 = arith.constant -1.000000e+30 : f32
    %broadcast_in_dim3A_14 = vector.broadcast %jit3A_13 : f32 to vector<2048x16xf32>
    %select_n3A_15 = arith.select %eq3A_12, %broadcast_in_dim3A_14, %dot_general3A_5 : vector<2048x16xi1>, vector<2048x16xf32>
    %reduce_max3A_16 = arith.constant dense<0xFF800000> : vector<2048xf32>
    %reduce_max3A_17 = vector.multi_reduction <maximumf>, %select_n3A_15, %reduce_max3A_16 [1] : vector<2048x16xf32> to vector<2048xf32>
    %broadcast_in_dim3A_18 = vector.shape_cast %reduce_max3A_17 : vector<2048xf32> to vector<2048x1xf32>
    %eq3A_19 = vector.broadcast %broadcast_in_dim3A_18 : vector<2048x1xf32> to vector<2048x16xf32>
    %eq3A_20 = arith.cmpf oeq, %select_n3A_15, %eq3A_19 : vector<2048x16xf32>
    %jit3A_21 = arith.constant 16 : i32
    %broadcast_in_dim3A_22 = vector.broadcast %jit3A_21 : i32 to vector<2048x16xi32>
    %select_n3A_23 = arith.select %eq3A_20, %iota3A, %broadcast_in_dim3A_22 : vector<2048x16xi1>, vector<2048x16xi32>
    %reduce_min3A_24 = arith.constant dense<2147483647> : vector<2048xi32>
    %reduce_min3A_25 = vector.multi_reduction <minsi>, %select_n3A_23, %reduce_min3A_24 [1] : vector<2048x16xi32> to vector<2048xi32>
    %broadcast_in_dim3A_26 = vector.shape_cast %reduce_min3A_25 : vector<2048xi32> to vector<2048x1xi32>
    %sub3A = arith.subf %broadcast_in_dim3A, %broadcast_in_dim3A_18 : vector<2048x1xf32>
    %logistic3A = arith.negf %sub3A : vector<2048x1xf32>
    %logistic3A_27 = math.exp %logistic3A : vector<2048x1xf32>
    %logistic3A_28 = arith.constant 1.000000e+00 : f32
    %logistic3A_29 = vector.broadcast %logistic3A_28 : f32 to vector<2048x1xf32>
    %logistic3A_30 = arith.addf %logistic3A_29, %logistic3A_27 : vector<2048x1xf32>
    %logistic3A_31 = arith.divf %logistic3A_29, %logistic3A_30 : vector<2048x1xf32>
    %swap3A = arith.constant 0 : index
    %swap3A_32 = arith.constant 0 : index
    %swap3A_33 = vector.load %arg4[%swap3A, %swap3A_32] : memref<2048x1xf32, #tpu.memory_space<vmem>>, vector<2048x1xf32>
    tpu.vector_store %arg4[%swap3A, %swap3A_32], %logistic3A_31 {strides = array<i32>} : memref<2048x1xf32, #tpu.memory_space<vmem>>, vector<2048x1xf32>,
    %sub3A_34 = arith.subf %broadcast_in_dim3A_18, %broadcast_in_dim3A : vector<2048x1xf32>
    %logistic3A_35 = arith.negf %sub3A_34 : vector<2048x1xf32>
    %logistic3A_36 = math.exp %logistic3A_35 : vector<2048x1xf32>
    %logistic3A_37 = arith.constant 1.000000e+00 : f32
    %logistic3A_38 = vector.broadcast %logistic3A_37 : f32 to vector<2048x1xf32>
    %logistic3A_39 = arith.addf %logistic3A_38, %logistic3A_36 : vector<2048x1xf32>
    %logistic3A_40 = arith.divf %logistic3A_38, %logistic3A_39 : vector<2048x1xf32>
    %swap3A_41 = arith.constant 0 : index
    %swap3A_42 = arith.constant 0 : index
    %swap3A_43 = vector.load %arg5[%swap3A_41, %swap3A_42] : memref<2048x1xf32, #tpu.memory_space<vmem>>, vector<2048x1xf32>
    tpu.vector_store %arg5[%swap3A_41, %swap3A_42], %logistic3A_40 {strides = array<i32>} : memref<2048x1xf32, #tpu.memory_space<vmem>>, vector<2048x1xf32>,
    %eq3A_44 = vector.broadcast %broadcast_in_dim3A_10 : vector<2048x1xi32> to vector<2048x16xi32>
    %eq3A_45 = arith.cmpi eq, %iota3A, %eq3A_44 : vector<2048x16xi32>
    %convert_element_type3A = arith.extui %eq3A_45 : vector<2048x16xi1> to vector<2048x16xi32>
    %eq3A_46 = vector.broadcast %broadcast_in_dim3A_26 : vector<2048x1xi32> to vector<2048x16xi32>
    %eq3A_47 = arith.cmpi eq, %iota3A, %eq3A_46 : vector<2048x16xi32>
    %convert_element_type3A_48 = arith.extui %eq3A_47 : vector<2048x16xi1> to vector<2048x16xi32>
    %broadcast_in_dim3A_49 = arith.constant 0 : i32
    %broadcast_in_dim3A_50 = vector.broadcast %broadcast_in_dim3A_49 : i32 to vector<1x16xi32>
    %slice3A = vector.extract_strided_slice %convert_element_type3A {offsets = [0, 0], sizes = [2047, 16], strides = [1, 1]} : vector<2048x16xi32> to vector<2047x16xi32>
    %concatenate3A = tpu.concatenate %broadcast_in_dim3A_50, %slice3A in 0 : vector<1x16xi32>, vector<2047x16xi32> -> vector<2048x16xi32>
    %add3A = arith.addi %convert_element_type3A, %concatenate3A : vector<2048x16xi32>
    %broadcast_in_dim3A_51 = arith.constant 0 : i32
    %broadcast_in_dim3A_52 = vector.broadcast %broadcast_in_dim3A_51 : i32 to vector<2x16xi32>
    %slice3A_53 = vector.extract_strided_slice %add3A {offsets = [0, 0], sizes = [2046, 16], strides = [1, 1]} : vector<2048x16xi32> to vector<2046x16xi32>
    %concatenate3A_54 = tpu.concatenate %broadcast_in_dim3A_52, %slice3A_53 in 0 : vector<2x16xi32>, vector<2046x16xi32> -> vector<2048x16xi32>
    %add3A_55 = arith.addi %add3A, %concatenate3A_54 : vector<2048x16xi32>
    %broadcast_in_dim3A_56 = arith.constant 0 : i32
    %broadcast_in_dim3A_57 = vector.broadcast %broadcast_in_dim3A_56 : i32 to vector<4x16xi32>
    %slice3A_58 = vector.extract_strided_slice %add3A_55 {offsets = [0, 0], sizes = [2044, 16], strides = [1, 1]} : vector<2048x16xi32> to vector<2044x16xi32>
    %concatenate3A_59 = tpu.concatenate %broadcast_in_dim3A_57, %slice3A_58 in 0 : vector<4x16xi32>, vector<2044x16xi32> -> vector<2048x16xi32>
    %add3A_60 = arith.addi %add3A_55, %concatenate3A_59 : vector<2048x16xi32>
    %broadcast_in_dim3A_61 = arith.constant 0 : i32
    %broadcast_in_dim3A_62 = vector.broadcast %broadcast_in_dim3A_61 : i32 to vector<8x16xi32>
    %slice3A_63 = vector.extract_strided_slice %add3A_60 {offsets = [0, 0], sizes = [2040, 16], strides = [1, 1]} : vector<2048x16xi32> to vector<2040x16xi32>
    %concatenate3A_64 = tpu.concatenate %broadcast_in_dim3A_62, %slice3A_63 in 0 : vector<8x16xi32>, vector<2040x16xi32> -> vector<2048x16xi32>
    %add3A_65 = arith.addi %add3A_60, %concatenate3A_64 : vector<2048x16xi32>
    %broadcast_in_dim3A_66 = arith.constant 0 : i32
    %broadcast_in_dim3A_67 = vector.broadcast %broadcast_in_dim3A_66 : i32 to vector<16x16xi32>
    %slice3A_68 = vector.extract_strided_slice %add3A_65 {offsets = [0, 0], sizes = [2032, 16], strides = [1, 1]} : vector<2048x16xi32> to vector<2032x16xi32>
    %concatenate3A_69 = tpu.concatenate %broadcast_in_dim3A_67, %slice3A_68 in 0 : vector<16x16xi32>, vector<2032x16xi32> -> vector<2048x16xi32>
    %add3A_70 = arith.addi %add3A_65, %concatenate3A_69 : vector<2048x16xi32>
    %broadcast_in_dim3A_71 = arith.constant 0 : i32
    %broadcast_in_dim3A_72 = vector.broadcast %broadcast_in_dim3A_71 : i32 to vector<32x16xi32>
    %slice3A_73 = vector.extract_strided_slice %add3A_70 {offsets = [0, 0], sizes = [2016, 16], strides = [1, 1]} : vector<2048x16xi32> to vector<2016x16xi32>
    %concatenate3A_74 = tpu.concatenate %broadcast_in_dim3A_72, %slice3A_73 in 0 : vector<32x16xi32>, vector<2016x16xi32> -> vector<2048x16xi32>
    %add3A_75 = arith.addi %add3A_70, %concatenate3A_74 : vector<2048x16xi32>
    %broadcast_in_dim3A_76 = arith.constant 0 : i32
    %broadcast_in_dim3A_77 = vector.broadcast %broadcast_in_dim3A_76 : i32 to vector<64x16xi32>
    %slice3A_78 = vector.extract_strided_slice %add3A_75 {offsets = [0, 0], sizes = [1984, 16], strides = [1, 1]} : vector<2048x16xi32> to vector<1984x16xi32>
    %concatenate3A_79 = tpu.concatenate %broadcast_in_dim3A_77, %slice3A_78 in 0 : vector<64x16xi32>, vector<1984x16xi32> -> vector<2048x16xi32>
    %add3A_80 = arith.addi %add3A_75, %concatenate3A_79 : vector<2048x16xi32>
    %broadcast_in_dim3A_81 = arith.constant 0 : i32
    %broadcast_in_dim3A_82 = vector.broadcast %broadcast_in_dim3A_81 : i32 to vector<128x16xi32>
    %slice3A_83 = vector.extract_strided_slice %add3A_80 {offsets = [0, 0], sizes = [1920, 16], strides = [1, 1]} : vector<2048x16xi32> to vector<1920x16xi32>
    %concatenate3A_84 = tpu.concatenate %broadcast_in_dim3A_82, %slice3A_83 in 0 : vector<128x16xi32>, vector<1920x16xi32> -> vector<2048x16xi32>
    %add3A_85 = arith.addi %add3A_80, %concatenate3A_84 : vector<2048x16xi32>
    %broadcast_in_dim3A_86 = arith.constant 0 : i32
    %broadcast_in_dim3A_87 = vector.broadcast %broadcast_in_dim3A_86 : i32 to vector<256x16xi32>
    %slice3A_88 = vector.extract_strided_slice %add3A_85 {offsets = [0, 0], sizes = [1792, 16], strides = [1, 1]} : vector<2048x16xi32> to vector<1792x16xi32>
    %concatenate3A_89 = tpu.concatenate %broadcast_in_dim3A_87, %slice3A_88 in 0 : vector<256x16xi32>, vector<1792x16xi32> -> vector<2048x16xi32>
    %add3A_90 = arith.addi %add3A_85, %concatenate3A_89 : vector<2048x16xi32>
    %broadcast_in_dim3A_91 = arith.constant 0 : i32
    %broadcast_in_dim3A_92 = vector.broadcast %broadcast_in_dim3A_91 : i32 to vector<512x16xi32>
    %slice3A_93 = vector.extract_strided_slice %add3A_90 {offsets = [0, 0], sizes = [1536, 16], strides = [1, 1]} : vector<2048x16xi32> to vector<1536x16xi32>
    %concatenate3A_94 = tpu.concatenate %broadcast_in_dim3A_92, %slice3A_93 in 0 : vector<512x16xi32>, vector<1536x16xi32> -> vector<2048x16xi32>
    %add3A_95 = arith.addi %add3A_90, %concatenate3A_94 : vector<2048x16xi32>
    %broadcast_in_dim3A_96 = arith.constant 0 : i32
    %broadcast_in_dim3A_97 = vector.broadcast %broadcast_in_dim3A_96 : i32 to vector<1024x16xi32>
    %slice3A_98 = vector.extract_strided_slice %add3A_95 {offsets = [0, 0], sizes = [1024, 16], strides = [1, 1]} : vector<2048x16xi32> to vector<1024x16xi32>
    %concatenate3A_99 = tpu.concatenate %broadcast_in_dim3A_97, %slice3A_98 in 0 : vector<1024x16xi32>, vector<1024x16xi32> -> vector<2048x16xi32>
    %add3A_100 = arith.addi %add3A_95, %concatenate3A_99 : vector<2048x16xi32>
    %sub3A_101 = arith.subi %add3A_100, %convert_element_type3A : vector<2048x16xi32>
    %broadcast_in_dim3A_102 = arith.constant 0 : i32
    %broadcast_in_dim3A_103 = vector.broadcast %broadcast_in_dim3A_102 : i32 to vector<1x16xi32>
    %slice3A_104 = vector.extract_strided_slice %convert_element_type3A_48 {offsets = [0, 0], sizes = [2047, 16], strides = [1, 1]} : vector<2048x16xi32> to vector<2047x16xi32>
    %concatenate3A_105 = tpu.concatenate %broadcast_in_dim3A_103, %slice3A_104 in 0 : vector<1x16xi32>, vector<2047x16xi32> -> vector<2048x16xi32>
    %add3A_106 = arith.addi %convert_element_type3A_48, %concatenate3A_105 : vector<2048x16xi32>
    %broadcast_in_dim3A_107 = arith.constant 0 : i32
    %broadcast_in_dim3A_108 = vector.broadcast %broadcast_in_dim3A_107 : i32 to vector<2x16xi32>
    %slice3A_109 = vector.extract_strided_slice %add3A_106 {offsets = [0, 0], sizes = [2046, 16], strides = [1, 1]} : vector<2048x16xi32> to vector<2046x16xi32>
    %concatenate3A_110 = tpu.concatenate %broadcast_in_dim3A_108, %slice3A_109 in 0 : vector<2x16xi32>, vector<2046x16xi32> -> vector<2048x16xi32>
    %add3A_111 = arith.addi %add3A_106, %concatenate3A_110 : vector<2048x16xi32>
    %broadcast_in_dim3A_112 = arith.constant 0 : i32
    %broadcast_in_dim3A_113 = vector.broadcast %broadcast_in_dim3A_112 : i32 to vector<4x16xi32>
    %slice3A_114 = vector.extract_strided_slice %add3A_111 {offsets = [0, 0], sizes = [2044, 16], strides = [1, 1]} : vector<2048x16xi32> to vector<2044x16xi32>
    %concatenate3A_115 = tpu.concatenate %broadcast_in_dim3A_113, %slice3A_114 in 0 : vector<4x16xi32>, vector<2044x16xi32> -> vector<2048x16xi32>
    %add3A_116 = arith.addi %add3A_111, %concatenate3A_115 : vector<2048x16xi32>
    %broadcast_in_dim3A_117 = arith.constant 0 : i32
    %broadcast_in_dim3A_118 = vector.broadcast %broadcast_in_dim3A_117 : i32 to vector<8x16xi32>
    %slice3A_119 = vector.extract_strided_slice %add3A_116 {offsets = [0, 0], sizes = [2040, 16], strides = [1, 1]} : vector<2048x16xi32> to vector<2040x16xi32>
    %concatenate3A_120 = tpu.concatenate %broadcast_in_dim3A_118, %slice3A_119 in 0 : vector<8x16xi32>, vector<2040x16xi32> -> vector<2048x16xi32>
    %add3A_121 = arith.addi %add3A_116, %concatenate3A_120 : vector<2048x16xi32>
    %broadcast_in_dim3A_122 = arith.constant 0 : i32
    %broadcast_in_dim3A_123 = vector.broadcast %broadcast_in_dim3A_122 : i32 to vector<16x16xi32>
    %slice3A_124 = vector.extract_strided_slice %add3A_121 {offsets = [0, 0], sizes = [2032, 16], strides = [1, 1]} : vector<2048x16xi32> to vector<2032x16xi32>
    %concatenate3A_125 = tpu.concatenate %broadcast_in_dim3A_123, %slice3A_124 in 0 : vector<16x16xi32>, vector<2032x16xi32> -> vector<2048x16xi32>
    %add3A_126 = arith.addi %add3A_121, %concatenate3A_125 : vector<2048x16xi32>
    %broadcast_in_dim3A_127 = arith.constant 0 : i32
    %broadcast_in_dim3A_128 = vector.broadcast %broadcast_in_dim3A_127 : i32 to vector<32x16xi32>
    %slice3A_129 = vector.extract_strided_slice %add3A_126 {offsets = [0, 0], sizes = [2016, 16], strides = [1, 1]} : vector<2048x16xi32> to vector<2016x16xi32>
    %concatenate3A_130 = tpu.concatenate %broadcast_in_dim3A_128, %slice3A_129 in 0 : vector<32x16xi32>, vector<2016x16xi32> -> vector<2048x16xi32>
    %add3A_131 = arith.addi %add3A_126, %concatenate3A_130 : vector<2048x16xi32>
    %broadcast_in_dim3A_132 = arith.constant 0 : i32
    %broadcast_in_dim3A_133 = vector.broadcast %broadcast_in_dim3A_132 : i32 to vector<64x16xi32>
    %slice3A_134 = vector.extract_strided_slice %add3A_131 {offsets = [0, 0], sizes = [1984, 16], strides = [1, 1]} : vector<2048x16xi32> to vector<1984x16xi32>
    %concatenate3A_135 = tpu.concatenate %broadcast_in_dim3A_133, %slice3A_134 in 0 : vector<64x16xi32>, vector<1984x16xi32> -> vector<2048x16xi32>
    %add3A_136 = arith.addi %add3A_131, %concatenate3A_135 : vector<2048x16xi32>
    %broadcast_in_dim3A_137 = arith.constant 0 : i32
    %broadcast_in_dim3A_138 = vector.broadcast %broadcast_in_dim3A_137 : i32 to vector<128x16xi32>
    %slice3A_139 = vector.extract_strided_slice %add3A_136 {offsets = [0, 0], sizes = [1920, 16], strides = [1, 1]} : vector<2048x16xi32> to vector<1920x16xi32>
    %concatenate3A_140 = tpu.concatenate %broadcast_in_dim3A_138, %slice3A_139 in 0 : vector<128x16xi32>, vector<1920x16xi32> -> vector<2048x16xi32>
    %add3A_141 = arith.addi %add3A_136, %concatenate3A_140 : vector<2048x16xi32>
    %broadcast_in_dim3A_142 = arith.constant 0 : i32
    %broadcast_in_dim3A_143 = vector.broadcast %broadcast_in_dim3A_142 : i32 to vector<256x16xi32>
    %slice3A_144 = vector.extract_strided_slice %add3A_141 {offsets = [0, 0], sizes = [1792, 16], strides = [1, 1]} : vector<2048x16xi32> to vector<1792x16xi32>
    %concatenate3A_145 = tpu.concatenate %broadcast_in_dim3A_143, %slice3A_144 in 0 : vector<256x16xi32>, vector<1792x16xi32> -> vector<2048x16xi32>
    %add3A_146 = arith.addi %add3A_141, %concatenate3A_145 : vector<2048x16xi32>
    %broadcast_in_dim3A_147 = arith.constant 0 : i32
    %broadcast_in_dim3A_148 = vector.broadcast %broadcast_in_dim3A_147 : i32 to vector<512x16xi32>
    %slice3A_149 = vector.extract_strided_slice %add3A_146 {offsets = [0, 0], sizes = [1536, 16], strides = [1, 1]} : vector<2048x16xi32> to vector<1536x16xi32>
    %concatenate3A_150 = tpu.concatenate %broadcast_in_dim3A_148, %slice3A_149 in 0 : vector<512x16xi32>, vector<1536x16xi32> -> vector<2048x16xi32>
    %add3A_151 = arith.addi %add3A_146, %concatenate3A_150 : vector<2048x16xi32>
    %broadcast_in_dim3A_152 = arith.constant 0 : i32
    %broadcast_in_dim3A_153 = vector.broadcast %broadcast_in_dim3A_152 : i32 to vector<1024x16xi32>
    %slice3A_154 = vector.extract_strided_slice %add3A_151 {offsets = [0, 0], sizes = [1024, 16], strides = [1, 1]} : vector<2048x16xi32> to vector<1024x16xi32>
    %concatenate3A_155 = tpu.concatenate %broadcast_in_dim3A_153, %slice3A_154 in 0 : vector<1024x16xi32>, vector<1024x16xi32> -> vector<2048x16xi32>
    %add3A_156 = arith.addi %add3A_151, %concatenate3A_155 : vector<2048x16xi32>
    %sub3A_157 = arith.subi %add3A_156, %convert_element_type3A_48 : vector<2048x16xi32>
    %reduce_sum3A = arith.constant dense<0> : vector<16xi32>
    %reduce_sum3A_158 = vector.multi_reduction <add>, %convert_element_type3A, %reduce_sum3A [0] : vector<2048x16xi32> to vector<16xi32>
    %broadcast_in_dim3A_159 = vector.shape_cast %reduce_sum3A_158 : vector<16xi32> to vector<1x16xi32>
    %reduce_sum3A_160 = arith.constant dense<0> : vector<16xi32>
    %reduce_sum3A_161 = vector.multi_reduction <add>, %convert_element_type3A_48, %reduce_sum3A_160 [0] : vector<2048x16xi32> to vector<16xi32>
    %broadcast_in_dim3A_162 = vector.shape_cast %reduce_sum3A_161 : vector<16xi32> to vector<1x16xi32>
    %add3A_163 = arith.addi %broadcast_in_dim3A_159, %broadcast_in_dim3A_162 : vector<1x16xi32>
    %add3A_164 = arith.constant 255 : i32
    %add3A_165 = vector.broadcast %add3A_164 : i32 to vector<1x16xi32>
    %add3A_166 = arith.addi %add3A_163, %add3A_165 : vector<1x16xi32>
    %shift_right_logical3A = arith.constant 8 : i32
    %shift_right_logical3A_167 = vector.broadcast %shift_right_logical3A : i32 to vector<1x16xi32>
    %shift_right_logical3A_168 = arith.shrui %add3A_166, %shift_right_logical3A_167 : vector<1x16xi32>
    %iota3A_169 = tpu.iota {dimensions = array<i32: 0>} : vector<16x16xi32>
    %iota3A_170 = tpu.iota {dimensions = array<i32: 1>} : vector<16x16xi32>
    %lt3A = arith.cmpi slt, %iota3A_169, %iota3A_170 : vector<16x16xi32>
    %convert_element_type3A_171 = arith.extui %lt3A : vector<16x16xi1> to vector<16x16xi32>
    %convert_element_type3A_172 = arith.sitofp %convert_element_type3A_171 : vector<16x16xi32> to vector<16x16xf32>
    %convert_element_type3A_173 = arith.sitofp %shift_right_logical3A_168 : vector<1x16xi32> to vector<1x16xf32>
    %dot_general3A_174 = arith.constant dense<0.000000e+00> : vector<1x16xf32>
    %dot_general3A_175 = tpu.matmul %convert_element_type3A_173, %convert_element_type3A_172, %dot_general3A_174 {dimension_numbers = #tpu.dot_dimension_numbers<[1], [0], [0], [1], [0, 0, 1, 1], [], []>, transpose_lhs_hint = false} : vector<1x16xf32>, vector<16x16xf32>, vector<1x16xf32> -> vector<1x16xf32>
    %convert_element_type3A_176 = arith.fptosi %dot_general3A_175 : vector<1x16xf32> to vector<1x16xi32>
    %mul3A = arith.constant 256 : i32
    %mul3A_177 = vector.broadcast %mul3A : i32 to vector<1x16xi32>
    %mul3A_178 = arith.muli %convert_element_type3A_176, %mul3A_177 : vector<1x16xi32>
    %add3A_179 = vector.broadcast %mul3A_178 : vector<1x16xi32> to vector<2048x16xi32>
    %add3A_180 = arith.addi %add3A_179, %sub3A_101 : vector<2048x16xi32>
    %mul3A_181 = arith.muli %convert_element_type3A, %add3A_180 : vector<2048x16xi32>
    %reduce_sum3A_182 = arith.constant dense<0> : vector<2048xi32>
    %reduce_sum3A_183 = vector.multi_reduction <add>, %mul3A_181, %reduce_sum3A_182 [1] : vector<2048x16xi32> to vector<2048xi32>
    %broadcast_in_dim3A_184 = vector.shape_cast %reduce_sum3A_183 : vector<2048xi32> to vector<2048x1xi32>
    %swap3A_185 = arith.constant 0 : index
    %swap3A_186 = arith.constant 0 : index
    %swap3A_187 = vector.load %arg2[%swap3A_185, %swap3A_186] : memref<2048x1xi32, #tpu.memory_space<vmem>>, vector<2048x1xi32>
    tpu.vector_store %arg2[%swap3A_185, %swap3A_186], %broadcast_in_dim3A_184 {strides = array<i32>} : memref<2048x1xi32, #tpu.memory_space<vmem>>, vector<2048x1xi32>,
    %add3A_188 = arith.addi %mul3A_178, %broadcast_in_dim3A_159 : vector<1x16xi32>
    %add3A_189 = vector.broadcast %add3A_188 : vector<1x16xi32> to vector<2048x16xi32>
    %add3A_190 = arith.addi %add3A_189, %sub3A_157 : vector<2048x16xi32>
    %mul3A_191 = arith.muli %convert_element_type3A_48, %add3A_190 : vector<2048x16xi32>
    %reduce_sum3A_192 = arith.constant dense<0> : vector<2048xi32>
    %reduce_sum3A_193 = vector.multi_reduction <add>, %mul3A_191, %reduce_sum3A_192 [1] : vector<2048x16xi32> to vector<2048xi32>
    %broadcast_in_dim3A_194 = vector.shape_cast %reduce_sum3A_193 : vector<2048xi32> to vector<2048x1xi32>
    %swap3A_195 = arith.constant 0 : index
    %swap3A_196 = arith.constant 0 : index
    %swap3A_197 = vector.load %arg3[%swap3A_195, %swap3A_196] : memref<2048x1xi32, #tpu.memory_space<vmem>>, vector<2048x1xi32>
    tpu.vector_store %arg3[%swap3A_195, %swap3A_196], %broadcast_in_dim3A_194 {strides = array<i32>} : memref<2048x1xi32, #tpu.memory_space<vmem>>, vector<2048x1xi32>,
    %iota3A_198 = tpu.iota {dimensions = array<i32: 0>} : vector<64x16xi32>
    %broadcast_in_dim3A_199 = vector.shape_cast %convert_element_type3A_176 : vector<1x16xi32> to vector<1x16xi32>
    %broadcast_in_dim3A_200 = vector.broadcast %broadcast_in_dim3A_199 : vector<1x16xi32> to vector<64x16xi32>
    %le3A = arith.cmpi sle, %broadcast_in_dim3A_200, %iota3A_198 : vector<64x16xi32>
    %convert_element_type3A_201 = arith.extui %le3A : vector<64x16xi1> to vector<64x16xi32>
    %reduce_sum3A_202 = arith.constant dense<0> : vector<64xi32>
    %reduce_sum3A_203 = vector.multi_reduction <add>, %convert_element_type3A_201, %reduce_sum3A_202 [1] : vector<64x16xi32> to vector<64xi32>
    %broadcast_in_dim3A_204 = vector.shape_cast %reduce_sum3A_203 : vector<64xi32> to vector<64x1xi32>
    %sub3A_205 = arith.constant 1 : i32
    %sub3A_206 = vector.broadcast %sub3A_205 : i32 to vector<64x1xi32>
    %sub3A_207 = arith.subi %broadcast_in_dim3A_204, %sub3A_206 : vector<64x1xi32>
    %reduce_sum3A_208 = arith.constant dense<0> : vector<1xi32>
    %reduce_sum3A_209 = vector.multi_reduction <add>, %shift_right_logical3A_168, %reduce_sum3A_208 [1] : vector<1x16xi32> to vector<1xi32>
    %broadcast_in_dim3A_210 = vector.shape_cast %reduce_sum3A_209 : vector<1xi32> to vector<1x1xi32>
    %iota3A_211 = tpu.iota {dimensions = array<i32: 0>} : vector<64x1xi32>
    %eq3A_212 = arith.constant 32 : i32
    %eq3A_213 = vector.broadcast %eq3A_212 : i32 to vector<64x1xi32>
    %eq3A_214 = arith.cmpi eq, %iota3A_211, %eq3A_213 : vector<64x1xi32>
    %broadcast_in_dim3A_215 = vector.shape_cast %broadcast_in_dim3A_210 : vector<1x1xi32> to vector<1x1xi32>
    %broadcast_in_dim3A_216 = vector.broadcast %broadcast_in_dim3A_215 : vector<1x1xi32> to vector<64x1xi32>
    %select_n3A_217 = arith.select %eq3A_214, %broadcast_in_dim3A_216, %sub3A_207 : vector<64x1xi1>, vector<64x1xi32>
    %swap3A_218 = arith.constant 0 : index
    %swap3A_219 = arith.constant 0 : index
    %swap3A_220 = vector.load %arg6[%swap3A_218, %swap3A_219] : memref<64x1xi32, #tpu.memory_space<vmem>>, vector<64x1xi32>
    tpu.vector_store %arg6[%swap3A_218, %swap3A_219], %select_n3A_217 {strides = array<i32>} : memref<64x1xi32, #tpu.memory_space<vmem>>, vector<64x1xi32>,
    return
  }
}

module attributes {stable_mosaic.version = 14 : i64} {
  func.func @_combine_body(%arg0: i32, %arg1: memref<512x1024xf32, #tpu.memory_space<vmem>>, %arg2: memref<512x1024xf32, #tpu.memory_space<vmem>>, %arg3: memref<512x1xf32, #tpu.memory_space<vmem>>, %arg4: memref<512x1xf32, #tpu.memory_space<vmem>>, %arg5: memref<512x1024xf32, #tpu.memory_space<vmem>>, %arg6: memref<512x1024xf32, #tpu.memory_space<vmem>>) attributes {dimension_semantics = [#tpu.dimension_semantics<arbitrary>], iteration_bounds = array<i64: 4>, scalar_prefetch = 0 : i64, scratch_operands = 0 : i64, tpu.core_type = #tpu.core_type<tc>, window_params = [{transform_indices = @transform_0, window_bounds = array<i64: 512, 1024>}, {transform_indices = @transform_1, window_bounds = array<i64: 512, 1024>}, {transform_indices = @transform_2, window_bounds = array<i64: 512, 1>}, {transform_indices = @transform_3, window_bounds = array<i64: 512, 1>}, {transform_indices = @transform_4, window_bounds = array<i64: 512, 1024>}, {transform_indices = @transform_5, window_bounds = array<i64: 512, 1024>}]} {
    %get3A = arith.constant 0 : index
    %get3A_0 = arith.constant 0 : index
    %get3A_1 = vector.load %arg3[%get3A, %get3A_0] : memref<512x1xf32, #tpu.memory_space<vmem>>, vector<512x1xf32>
    %get3A_2 = arith.constant 0 : index
    %get3A_3 = arith.constant 0 : index
    %get3A_4 = vector.load %arg1[%get3A_2, %get3A_3] : memref<512x1024xf32, #tpu.memory_space<vmem>>, vector<512x1024xf32>
    %mul3A = vector.broadcast %get3A_1 : vector<512x1xf32> to vector<512x1024xf32>
    %mul3A_5 = arith.mulf %mul3A, %get3A_4 : vector<512x1024xf32>
    %get3A_6 = arith.constant 0 : index
    %get3A_7 = arith.constant 0 : index
    %get3A_8 = vector.load %arg4[%get3A_6, %get3A_7] : memref<512x1xf32, #tpu.memory_space<vmem>>, vector<512x1xf32>
    %get3A_9 = arith.constant 0 : index
    %get3A_10 = arith.constant 0 : index
    %get3A_11 = vector.load %arg2[%get3A_9, %get3A_10] : memref<512x1024xf32, #tpu.memory_space<vmem>>, vector<512x1024xf32>
    %mul3A_12 = vector.broadcast %get3A_8 : vector<512x1xf32> to vector<512x1024xf32>
    %mul3A_13 = arith.mulf %mul3A_12, %get3A_11 : vector<512x1024xf32>
    %add3A = arith.addf %mul3A_5, %mul3A_13 : vector<512x1024xf32>
    %get3A_14 = arith.constant 0 : index
    %get3A_15 = arith.constant 0 : index
    %get3A_16 = vector.load %arg5[%get3A_14, %get3A_15] : memref<512x1024xf32, #tpu.memory_space<vmem>>, vector<512x1024xf32>
    %add3A_17 = arith.addf %add3A, %get3A_16 : vector<512x1024xf32>
    %swap3A = arith.constant 0 : index
    %swap3A_18 = arith.constant 0 : index
    %swap3A_19 = vector.load %arg6[%swap3A, %swap3A_18] : memref<512x1024xf32, #tpu.memory_space<vmem>>, vector<512x1024xf32>
    tpu.vector_store %arg6[%swap3A, %swap3A_18], %add3A_17 {strides = array<i32>} : memref<512x1024xf32, #tpu.memory_space<vmem>>, vector<512x1024xf32>,
    return
  }
  func.func @transform_0(%arg0: i32) -> (i32, i32) {
    %c0_i32 = arith.constant 0 : i32
    %c0_i32_0 = arith.constant 0 : i32
    return %arg0, %c0_i32 : i32, i32
  }
  func.func @transform_1(%arg0: i32) -> (i32, i32) {
    %c0_i32 = arith.constant 0 : i32
    %c0_i32_0 = arith.constant 0 : i32
    return %arg0, %c0_i32 : i32, i32
  }
  func.func @transform_2(%arg0: i32) -> (i32, i32) {
    %c0_i32 = arith.constant 0 : i32
    %c0_i32_0 = arith.constant 0 : i32
    return %arg0, %c0_i32 : i32, i32
  }
  func.func @transform_3(%arg0: i32) -> (i32, i32) {
    %c0_i32 = arith.constant 0 : i32
    %c0_i32_0 = arith.constant 0 : i32
    return %arg0, %c0_i32 : i32, i32
  }
  func.func @transform_4(%arg0: i32) -> (i32, i32) {
    %c0_i32 = arith.constant 0 : i32
    %c0_i32_0 = arith.constant 0 : i32
    return %arg0, %c0_i32 : i32, i32
  }
  func.func @transform_5(%arg0: i32) -> (i32, i32) {
    %c0_i32 = arith.constant 0 : i32
    %c0_i32_0 = arith.constant 0 : i32
    return %arg0, %c0_i32 : i32, i32
  }
}

</mosaic_0001>

<sc_bundles>
// kernel: kernel.11.cloned.1.call-start
scs
__scs_entry_jumppad:
0x0: {  	(pc) =	sbr.rel $0x88, $3  }
0x1: {  	(tag) =	ssettag $0x0;
	lr =	simm.s32 $0x1  }
0x2: {  	[smem:$0x3F98] =	sst lr;
	_ =	strace $0xD0000000  }
0x3: {  	_ = 	snop  }
0x4: {  	_ = 	snop  }
0x5: {  	_ = 	snop  }
0x6: {  	_ = 	snop  }
0x7: {  	_ = 	snop  }
__scs_overlays_trampoline_lowered:
0x8: {  	[smem:$0x3FA7] =	sst s0  }
0x9: {  	[smem:$0x3FA8] =	sst s1  }
0xa: {  	[smem:$0x3FA9] =	sst s2  }
0xb: {  	[smem:$0x3FAA] =	sst s3  }
0xc: {  	[smem:$0x3FAB] =	sst s4  }
0xd: {  	[smem:$0x3FAC] =	sst s5  }
0xe: {  	[smem:$0x3FAD] =	sst s6  }
0xf: {  	[smem:$0x3FAE] =	sst s7  }
0x10: {  	[smem:$0x3FAF] =	sst s8  }
0x11: {  	[smem:$0x3FB0] =	sst s9;
	s0 =	simm.s32 @!p0 $0x0  }
0x12: {  	s1 =	sld [smem:$0x3F96];
	s0 =	simm.s32 @p0 $0x1  }
0x13: {  	[smem:$0x3FB1] =	sst s0;
	s0 =	simm.s32 @!p1 $0x0  }
0x14: {  	s2 =	sld [smem:$0x3F95];
	s0 =	simm.s32 @p1 $0x1  }
0x15: {  	[smem:$0x3FB2] =	sst s0;
	s0 =	simm.s32 @!p2 $0x0  }
0x16: {  	s3 =	sld [smem:$0x3FDB];
	s0 =	simm.s32 @p2 $0x1  }
0x17: {  	s4 =	simm.s32 $0x1BF5;
	[smem:$0x3FB4] =	sst s0  }
0x18: {  	s0 =	sld [smem:$0x3F97];
	_ =	swait.ge [sflag:s4], $0x0  }
0x19: {  	s7 =	sld [smem:$0x3F98]  }
0x1a: {  	s8 =	sadd.s32 $0xFFFFE003, lr  }
0x1b: {  	s9 =	sadd.s32 $0xFFFFFEF7, lr;
	s5 =	simm.s32 $0xFFFFFFFF;
	p2 =	slt.u32 s8, $0xFFFFF086  }
0x1c: {  	p1 =	slt.u32 s9, $0xF7A;
	s5 =	simm.s32 @!p2 $0x0  }
0x1d: {  	s5 =	simm.s32 @p1 $0x1;
	p0 =	seq.s32 s7, s2  }
0x1e: {  	s7 =	smul.u32 @!p0 $0xF7A, s2;
	p2 =	seq.s32 @!p0 s5, $0x0  }
0x1f: {  	s9 =	smul.u32 $0xF7A, s1;
	s8 =	simm.s32 @!p0 $0x1BF5;
	p2 =	por !p2, p0  }
0x20: {  	[sflag:s8] =	ssyncset.s32 @!p0 $0xFFFFF086;
	s6 =	sadd.s32 @!p0 s3, s7;
	s7 =	simm.s32 @!p0 $0x108  }
0x21: {  	s3 =	sadd.s32 s3, s9;
	s6 =	sadd.s32 @!p0 $0x88, s6;
	s7 =	simm.s32 @p2 $0x1082  }
0x22: {  	[simem:s7], [sflag:s8] =	dma.local @!p0 [hbm:s6], $0xF7A  }
0x23: {  	s9 =	sor.u32 $0xD0000000, s2;
	s6 =	simm.s32 $0x108;
	_ =	swait.ge @!p0 [sflag:s8], $0x0  }
0x24: {  	s3 =	sadd.s32 $0x88, s3;
	s6 =	simm.s32 @!p1 $0x1082;
	[sflag:s4] =	ssyncset.s32 $0xFFFFF086  }
0x25: {  	[simem:s6], [sflag:s4] =	dma.local [hbm:s3], $0xF7A  }
0x26: {  	[smem:$0x3F98] =	sst s1;
	(tag) =	ssettag s2;
	_ =	strace s9  }
0x27: {  	s1 =	sld [smem:$0x3FA8]  }
0x28: {  	s2 =	sld [smem:$0x3FA9]  }
0x29: {  	s4 =	sld [smem:$0x3FAB]  }
0x2a: {  	p0 =	seq.s32 s5, $0x0;
	s5 =	sld [smem:$0x3FAC]  }
0x2b: {  	s6 =	sld [smem:$0x3FAD]  }
0x2c: {  	s7 =	sld [smem:$0x3FAE]  }
0x2d: {  	s3 =	simm.s32 $0x108;
	s8 =	sld [smem:$0x3FAF]  }
0x2e: {  	s3 =	simm.s32 @!p0 $0x1082;
	s9 =	sld [smem:$0x3FB0]  }
0x2f: {  	lr =	sadd.s32 s0, s3;
	s0 =	sld [smem:$0x3FA7]  }
0x30: {  	s3 =	sld [smem:$0x3FAA]  }
0x31: {  	[smem:$0x3FB3] =	sst s10  }
0x32: {  	s10 =	sld [smem:$0x3FB1];
	_ =	sdelay $0x3  }
0x33: {  	p0 =	seq.s32 s10, $0x1;
	s10 =	sld [smem:$0x3FB3];
	_ =	sdelay $0x3  }
0x34: {  	[smem:$0x3FB3] =	sst s10  }
0x35: {  	s10 =	sld [smem:$0x3FB2];
	_ =	sdelay $0x3  }
0x36: {  	p1 =	seq.s32 s10, $0x1;
	s10 =	sld [smem:$0x3FB3];
	_ =	sdelay $0x3  }
0x37: {  	[smem:$0x3FB3] =	sst s10  }
0x38: {  	s10 =	sld [smem:$0x3FB4]  }
0x39: {  	_ = 	snop;
	(pc) =	sbr.ind lr, $3  }
0x3a: {  	_ = 	snop  }
0x3b: {  	_ = 	snop  }
0x3c: {  	p2 =	seq.s32 s10, $0x1;
	s10 =	sld [smem:$0x3FB3]  }
0x3d: {  	_ =	shalt  }
0x3e: {  	_ =	shalt  }
0x3f: {  	_ =	shalt  }
0x40: {  	_ =	shalt  }
0x41: {  	_ =	shalt  }
0x42: {  	_ =	shalt  }
0x43: {  	_ =	shalt  }
0x44: {  	_ =	shalt  }
0x45: {  	_ =	shalt  }
0x46: {  	_ =	shalt  }
0x47: {  	_ =	shalt  }
0x48: {  	_ =	shalt  }
0x49: {  	_ =	shalt  }
0x4a: {  	_ =	shalt  }
0x4b: {  	_ =	shalt  }
0x4c: {  	_ =	shalt  }
0x4d: {  	_ =	shalt  }
0x4e: {  	_ =	shalt  }
0x4f: {  	_ =	shalt  }
0x50: {  	_ =	shalt  }
0x51: {  	_ =	shalt  }
0x52: {  	_ =	shalt  }
0x53: {  	_ =	shalt  }
0x54: {  	_ =	shalt  }
0x55: {  	_ =	shalt  }
0x56: {  	_ =	shalt  }
0x57: {  	_ =	shalt  }
0x58: {  	_ =	shalt  }
0x59: {  	_ =	shalt  }
0x5a: {  	_ =	shalt  }
0x5b: {  	_ =	shalt  }
0x5c: {  	_ =	shalt  }
0x5d: {  	_ =	shalt  }
0x5e: {  	_ =	shalt  }
0x5f: {  	_ =	shalt  }
0x60: {  	_ =	shalt  }
0x61: {  	_ =	shalt  }
0x62: {  	_ =	shalt  }
0x63: {  	_ =	shalt  }
0x64: {  	_ =	shalt  }
0x65: {  	_ =	shalt  }
0x66: {  	_ =	shalt  }
0x67: {  	_ =	shalt  }
0x68: {  	_ =	shalt  }
0x69: {  	_ =	shalt  }
0x6a: {  	_ =	shalt  }
0x6b: {  	_ =	shalt  }
0x6c: {  	_ =	shalt  }
0x6d: {  	_ =	shalt  }
0x6e: {  	_ =	shalt  }
0x6f: {  	_ =	shalt  }
0x70: {  	_ =	shalt  }
0x71: {  	_ =	shalt  }
0x72: {  	_ =	shalt  }
0x73: {  	_ =	shalt  }
0x74: {  	_ =	shalt  }
0x75: {  	_ =	shalt  }
0x76: {  	_ =	shalt  }
0x77: {  	_ =	shalt  }
0x78: {  	_ =	shalt  }
0x79: {  	_ =	shalt  }
0x7a: {  	_ =	shalt  }
0x7b: {  	_ =	shalt  }
0x7c: {  	_ =	shalt  }
0x7d: {  	_ =	shalt  }
0x7e: {  	_ =	shalt  }
0x7f: {  	_ =	shalt  }
0x80: {  	_ =	shalt  }
0x81: {  	_ =	shalt  }
0x82: {  	_ =	shalt  }
0x83: {  	_ =	shalt  }
0x84: {  	_ =	shalt  }
0x85: {  	_ =	shalt  }
0x86: {  	_ =	shalt  }
0x87: {  	_ =	shalt  }
.Lfunc_end0:
.L_simem_size_0:
called_computation.1_lowered:
.L_overlay_start_0:
0x88: {  	s2 =	sld [smem:$0x3FD9]  }
0x89: {  	s3 =	sld [smem:$0x3FFE];
	_ =	sdelay $0x1  }
0x8a: {  	s1 =	srdreg.scid  }
0x8b: {  	s0 =	sand.u32 $0x1, s1  }
0x8c: {  	s17 =	sshll.u32 s0, $0xA;
	s2 =	sadd.s32 s3, s2  }
0x8d: {  	s2 =	sadd.s32 s2, s17  }
0x8e: {  	[smem:$0x3FBF] =	sst s2  }
0x8f: {  	_ = 	snop  }
0x90: {  	s2 =	sld [smem:$0x3FD0];
	(tm) =	ssettm $0x1  }
0x91: {  	s18 =	sld [smem:$0x3FFB];
	_ =	sdelay $0x3  }
0x92: {  	_ =	strace s18  }
0x93: {  	s3 =	sld [smem:$0x3FFC];
	_ =	sdelay $0x3  }
0x94: {  	_ =	strace s3  }
0x95: {  	s3 =	sld [smem:$0x3FFD];
	_ =	sdelay $0x3  }
0x96: {  	_ =	strace s3  }
0x97: {  	_ =	strace $0x8FFFFFFF  }
0x98: {  	s19 =	sld [smem:$0x3FDB];
	_ =	sdelay $0x1  }
0x99: {  	s4 =	simm.s32 $_scs_section_size  }
0x9a: {  	s5 =	simm.s32 $_size__tile_overlayer_lowered;
	s6 =	simm.s32 $_tile_overlayer_lowered  }
0x9b: {  	s22 =	simm.s32 $0x1BFF;
	s21 =	sshll.u32 s6, $0x1;
	s3 =	sadd.s32 s4, s19  }
0x9c: {  	s7 =	simm.s32 $0x0;
	s20 =	sshll.u32 s5, $0x1;
	s5 =	sadd.s32 s21, s3  }
0x9d: {  	[timem:s7], [sflag:s22] =	dma.local [hbm:s5], s20  }
0x9e: {  	_ =	swait.ge [sflag:s22], s20  }
0x9f: {  	s4 =	ssub.s32 $0x0, s20;
	[sflag:s22] =	ssyncset.done $0x0  }
0xa0: {  	[sflag:s22] =	ssyncadd.s32 s4;
	_ =	sdelay $0x1  }
0xa1: {  	s23 =	simm.s32 $0x1B8B  }
0xa2: {  	_ =	swait.ge [sflag:s23], $0x1  }
0xa3: {  	[sflag:s23] =	ssyncset.done $0x0  }
0xa4: {  	s25 =	simm.s32 $0x1B8E;
	s24 =	sld [smem:$0x3FFE];
	[sflag:s23] =	ssyncadd.s32 $0xFFFFFFFF  }
0xa5: {  	s26 =	simm.s32 $execute0_lowered;
	[smem:$0x3FD2] =	sst s25  }
0xa6: {  	s5 =	sshll.u32 s26, $0x1;
	_ =	strace $0x80000049;
	[dreg:$0x1] =	wrdreg $0xFFFFFFFF  }
0xa7: {  	s28 =	simm.s32 $_size_execute0_lowered;
	s3 =	sadd.s32 s3, s5;
	[dreg:$0x0] =	wrdreg $0x0  }
0xa8: {  	s5 =	sshll.u32 s28, $0x1;
	[dreg:$0x2] =	wrdreg s3  }
0xa9: {  	[dreg:$0x3] =	wrdreg s5  }
0xaa: {  	[dreg:$0x4] =	wrdreg $0xC0  }
0xab: {  	_ =	task [dreg:s7], $0x5FFFF  }
0xac: {  	[dreg:$0x1] =	wrdreg $0xFFFFFFFF  }
0xad: {  	[dreg:$0x0] =	wrdreg $0x60  }
0xae: {  	[dreg:$0x2] =	wrdreg s24  }
0xaf: {  	[dreg:$0x3] =	wrdreg s2  }
0xb0: {  	[dreg:$0x4] =	wrdreg $0x9  }
0xb1: {  	_ =	task.clear_ibuf [dreg:s7], $0x5FFFF;
	_ =	strace $0x90000049  }
0xb2: {  	s29 =	simm.s32 $0x9;
	_ =	strace $0x8000004B  }
0xb3: {  	_ =	swait.ge [sflag:s29], $0x1  }
0xb4: {  	[sflag:s29] =	ssyncadd.s32 $0xFFFFFFFF  }
0xb5: {  	_ =	strace $0x9000004B  }
0xb6: {  	_ =	sfence  }
0xb7: {  	s30 =	sld [smem:$0x0];
	_ =	sdelay $0x2  }
0xb8: {  	s31 =	sshll.u32 s1, $0xD;
	s1 =	sshrl.u32 s1, $0x2  }
0xb9: {  	s3 =	sand.u32 $0x4000, s31;
	s1 =	sadd.s32 s1, s30  }
0xba: {  	s0 =	sor.u32 s3, s0;
	s1 =	sshll.u32 s1, $0x11  }
0xbb: {  	s0 =	sor.u32 s1, s0  }
0xbc: {  	s0 =	sadd.s32 $0x8F2B, s0  }
0xbd: {  	[sflag:s0] =	ssyncadd.remote.s32 $0x1  }
0xbe: {  	_ =	sfence.sel $0xFFFF  }
0xbf: {  	[dreg:$0x0] =	wrdreg $0xFFFFFFFF;
	(pc) =	sbr.abs _section_cstart, $3  }
0xc0: {  	[dreg:$0x1] =	wrdreg $0xFFFFFFFF  }
0xc1: {  	_ =	task.clear_ibuf [dreg:s7], $0x2FFFF;
	_ =	strace $0x9FFFFFFF  }
0xc2: {  	(tm) =	ssettm $0x7FFFFFFF  }
0xc3: {  	_ =	shalt  }
tec
execute0_lowered:
.L_overlay_start_1:
0x0: {  	(tag) =	ssettag $0x1  }
0x1: {  	s0 =	srdreg.scid;
	s1 =	rddreg [dreg:$0x0]  }
0x2: {  	s2 =	stileid.u32;
	s4 =	rddreg [dreg:$0x1]  }
0x3: {  	s26 =	simm.s32 $0x80;
	s28 =	simm.s32 $0x3900;
	s29 =	simm.s32 $0x4100  }
0x4: {  	s30 =	simm.s32 $0x4900;
	s31 =	simm.s32 $0x5100;
	s10 =	simm.s32 $0x6900  }
0x5: {  	s11 =	simm.s32 $0x7100;
	s12 =	simm.s32 $0x7900;
	s13 =	simm.s32 $0x8900  }
0x6: {  	s14 =	simm.s32 $0x9100;
	s15 =	simm.s32 $0x9900;
	s16 =	simm.s32 $0xA100  }
0x7: {  	s17 =	simm.s32 $0xA900;
	s9 =	simm.s32 $0xB100;
	s0 =	sand.u32 $0x1, s0  }
0x8: {  	s3 =	sshll.u32 s2, $0x7;
	s2 =	simm.s32 $0x0;
	s7 =	sadd.s32 $0x1400, s1  }
0x9: {  	s5 =	sshll.u32 s0, $0x6;
	[smem:$0x7FF] =	sst s2;
	s0 =	ssub.s32 $0x2, s0  }
0xa: {  	s5 =	sor.u32 s5, s3;
	_ =	strace $0x8000004A;
	s3 =	sadd.s32 $0x101400, s1  }
0xb: {  	s21 =	sshrl.u32 s0, $0x1;
	[dreg:$0x9] =	wrdreg s26;
	s26 =	simm.s32 $0x3100  }
0xc: {  	s6 =	sshrl.u32 s5, $0x3;
	s5 =	sshll.u32 s5, $0x7;
	s0 =	ssub.s32 s0, s21  }
0xd: {  	s21 =	simm.s32 $0x1100;
	s6 =	sadd.s32 s6, s1;
	s22 =	sadd.s32 s4, s5  }
0xe: {  	s23 =	sadd.s32 s7, s5;
	s5 =	sor.u32 $0x1000, s5;
	[dreg:$0x5] =	wrdreg s22  }
0xf: {  	s8 =	sadd.s32 $0x1000, s6;
	s6 =	sadd.s32 $0x1200, s6;
	[dreg:$0x6] =	wrdreg s23  }
0x10: {  	s24 =	sadd.s32 s4, s5;
	s4 =	sadd.s32 $0x101500, s1;
	[dreg:$0x3] =	wrdreg s8  }
0x11: {  	s25 =	sadd.s32 s7, s5;
	s5 =	sadd.s32 $0x101600, s1;
	[dreg:$0x4] =	wrdreg s6  }
0x12: {  	v2 =	vlaneseq.u32;
	s7 =	smax.u32 s0, $0x1;
	s22 =	simm.s32 $0x1900;
	[dreg:$0x7] =	wrdreg s24  }
0x13: {  	vm0 =	vmmov $0xffff;
	v1 =	vshrl.u32 v2, $0x3;
	s23 =	simm.s32 $0x2100;
	[dreg:$0x8] =	wrdreg s25;
	s6 =	sadd.s32 $0x101700, s1  }
0x14: {  	v0 =	vand.u32 $0x7, v2;
	v2 =	vor.u32 $0x8, v2;
	v1 =	vmul.u32 $0x8, v1;
	s8 =	simm.s32 $0x1;
	s25 =	simm.s32 $0x100;
	s24 =	simm.s32 $0x2900  }
.LBB2_1:
0x15: {  	s18 =	rddreg [dreg:$0x3]  }
0x16: {  	s19 =	rddreg [dreg:$0x4]  }
0x17: {  	[tilespmem:s2], [sflag:$0x1] =	stream.linear.gather [hbm4b:s18+s2], $0x40, $0x38;
	[tilespmem:$0x10100] =	vst v63  }
0x18: {  	s20 =	rddreg [dreg:$0x9]  }
0x19: {  	[tilespmem:s20], [sflag:$0x1] =	stream.linear.gather [hbm4b:s19+s2], $0x40, $0x38;
	[tilespmem:$0x10100] =	vst v63  }
0x1a: {  	_ =	swait.ge [sflag:s8], $0x40  }
0x1b: {  	[sflag:s8] =	ssyncset.done $0x0  }
0x1c: {  	[sflag:s8] =	ssyncadd.s32 $0xFFFFFFC0  }
0x1d: {  	_ =	swait.ge [sflag:s8], $0x40  }
0x1e: {  	[sflag:s8] =	ssyncset.done $0x0  }
0x1f: {  	[sflag:s8] =	ssyncadd.s32 $0xFFFFFFC0  }
0x20: {  	v3 =	vld [tilespmem:$0x0];
	_ =	sdelay $0x4  }
0x21: {  	v4 =	vshll.u32 v3, $0x3  }
0x22: {  	v3 =	vand.u32 $0x7, v3;
	v4 =	vand.u32 $0xFFFFFFC0, v4  }
0x23: {  	v3 =	vor.u32 v3, v4  }
0x24: {  	v4 =	vperm.xlane v3, v0;
	_ =	sdelay $0x1  }
0x25: {  	v4 =	vadd.s32 v1, v4;
	_ =	sdelay $0x4  }
0x26: {  	[tilespmem:s25], [sflag:$0x1] =	stream.indirect_vreg.gather [hbm4b:s3+s2], $0x80, v4, vm0, $0xb8;
	[tilespmem:$0x10100] =	vst v63  }
0x27: {  	s20 =	simm.s32 $0x900;
	v3 =	vperm.xlane v3, v2  }
0x28: {  	[tilespmem:s20], [sflag:$0x1] =	stream.indirect_vreg.gather [hbm4b:s4+s2], $0x80, v4, vm0, $0xb8;
	[tilespmem:$0x10100] =	vst v63  }
0x29: {  	v3 =	vadd.s32 v1, v3  }
0x2a: {  	[tilespmem:s21], [sflag:$0x1] =	stream.indirect_vreg.gather [hbm4b:s5+s2], $0x80, v4, vm0, $0xb8;
	[tilespmem:$0x10100] =	vst v63  }
0x2b: {  	_ = 	snop  }
0x2c: {  	[tilespmem:s22], [sflag:$0x1] =	stream.indirect_vreg.gather [hbm4b:s6+s2], $0x80, v4, vm0, $0xb8;
	[tilespmem:$0x10100] =	vst v63  }
0x2d: {  	_ = 	snop  }
0x2e: {  	[tilespmem:s23], [sflag:$0x1] =	stream.indirect_vreg.gather [hbm4b:s3+s2], $0x80, v3, vm0, $0xb8;
	[tilespmem:$0x10100] =	vst v63  }
0x2f: {  	_ = 	snop  }
0x30: {  	[tilespmem:s24], [sflag:$0x1] =	stream.indirect_vreg.gather [hbm4b:s4+s2], $0x80, v3, vm0, $0xb8;
	[tilespmem:$0x10100] =	vst v63  }
0x31: {  	_ = 	snop  }
0x32: {  	[tilespmem:s26], [sflag:$0x1] =	stream.indirect_vreg.gather [hbm4b:s5+s2], $0x80, v3, vm0, $0xb8;
	[tilespmem:$0x10100] =	vst v63  }
0x33: {  	_ = 	snop  }
0x34: {  	[tilespmem:s28], [sflag:$0x1] =	stream.indirect_vreg.gather [hbm4b:s6+s2], $0x80, v3, vm0, $0xb8;
	[tilespmem:$0x10100] =	vst v63  }
0x35: {  	v3 =	vld [tilespmem:$0x10];
	_ =	sdelay $0x4  }
0x36: {  	v57 =	vshll.u32 v3, $0x3  }
0x37: {  	v3 =	vand.u32 $0x7, v3;
	v4 =	vand.u32 $0xFFFFFFC0, v57  }
0x38: {  	v3 =	vor.u32 v3, v4  }
0x39: {  	v4 =	vperm.xlane v3, v0;
	_ =	sdelay $0x1  }
0x3a: {  	v4 =	vadd.s32 v1, v4;
	_ =	sdelay $0x4  }
0x3b: {  	[tilespmem:s29], [sflag:$0x1] =	stream.indirect_vreg.gather [hbm4b:s3+s2], $0x80, v4, vm0, $0xb8;
	[tilespmem:$0x10100] =	vst v63  }
0x3c: {  	v3 =	vperm.xlane v3, v2  }
0x3d: {  	[tilespmem:s30], [sflag:$0x1] =	stream.indirect_vreg.gather [hbm4b:s4+s2], $0x80, v4, vm0, $0xb8;
	[tilespmem:$0x10100] =	vst v63  }
0x3e: {  	v3 =	vadd.s32 v1, v3  }
0x3f: {  	[tilespmem:s31], [sflag:$0x1] =	stream.indirect_vreg.gather [hbm4b:s5+s2], $0x80, v4, vm0, $0xb8;
	[tilespmem:$0x10100] =	vst v63  }
0x40: {  	s1 =	simm.s32 $0x5900  }
0x41: {  	[tilespmem:s1], [sflag:$0x1] =	stream.indirect_vreg.gather [hbm4b:s6+s2], $0x80, v4, vm0, $0xb8;
	[tilespmem:$0x10100] =	vst v63  }
0x42: {  	s0 =	simm.s32 $0x6100  }
0x43: {  	[tilespmem:s0], [sflag:$0x1] =	stream.indirect_vreg.gather [hbm4b:s3+s2], $0x80, v3, vm0, $0xb8;
	[tilespmem:$0x10100] =	vst v63  }
0x44: {  	_ = 	snop  }
0x45: {  	[tilespmem:s10], [sflag:$0x1] =	stream.indirect_vreg.gather [hbm4b:s4+s2], $0x80, v3, vm0, $0xb8;
	[tilespmem:$0x10100] =	vst v63  }
0x46: {  	_ = 	snop  }
0x47: {  	[tilespmem:s11], [sflag:$0x1] =	stream.indirect_vreg.gather [hbm4b:s5+s2], $0x80, v3, vm0, $0xb8;
	[tilespmem:$0x10100] =	vst v63  }
0x48: {  	_ = 	snop  }
0x49: {  	[tilespmem:s12], [sflag:$0x1] =	stream.indirect_vreg.gather [hbm4b:s6+s2], $0x80, v3, vm0, $0xb8;
	[tilespmem:$0x10100] =	vst v63  }
0x4a: {  	v3 =	vld [tilespmem:$0x80];
	_ =	sdelay $0x4  }
0x4b: {  	v58 =	vshll.u32 v3, $0x3  }
0x4c: {  	v3 =	vand.u32 $0x7, v3;
	v4 =	vand.u32 $0xFFFFFFC0, v58  }
0x4d: {  	v3 =	vor.u32 v3, v4  }
0x4e: {  	v4 =	vperm.xlane v3, v0;
	_ =	sdelay $0x1  }
0x4f: {  	v4 =	vadd.s32 v1, v4;
	_ =	sdelay $0x3  }
0x50: {  	s0 =	simm.s32 $0x8100  }
0x51: {  	[tilespmem:s0], [sflag:$0x1] =	stream.indirect_vreg.gather [hbm4b:s3+s2], $0x80, v4, vm0, $0xb8;
	[tilespmem:$0x10100] =	vst v63  }
0x52: {  	v3 =	vperm.xlane v3, v2  }
0x53: {  	[tilespmem:s13], [sflag:$0x1] =	stream.indirect_vreg.gather [hbm4b:s4+s2], $0x80, v4, vm0, $0xb8;
	[tilespmem:$0x10100] =	vst v63  }
0x54: {  	v3 =	vadd.s32 v1, v3  }
0x55: {  	[tilespmem:s14], [sflag:$0x1] =	stream.indirect_vreg.gather [hbm4b:s5+s2], $0x80, v4, vm0, $0xb8;
	[tilespmem:$0x10100] =	vst v63  }
0x56: {  	_ = 	snop  }
0x57: {  	[tilespmem:s15], [sflag:$0x1] =	stream.indirect_vreg.gather [hbm4b:s6+s2], $0x80, v4, vm0, $0xb8;
	[tilespmem:$0x10100] =	vst v63  }
0x58: {  	_ = 	snop  }
0x59: {  	[tilespmem:s16], [sflag:$0x1] =	stream.indirect_vreg.gather [hbm4b:s3+s2], $0x80, v3, vm0, $0xb8;
	[tilespmem:$0x10100] =	vst v63  }
0x5a: {  	_ = 	snop  }
0x5b: {  	[tilespmem:s17], [sflag:$0x1] =	stream.indirect_vreg.gather [hbm4b:s4+s2], $0x80, v3, vm0, $0xb8;
	[tilespmem:$0x10100] =	vst v63  }
0x5c: {  	_ = 	snop  }
0x5d: {  	[tilespmem:s9], [sflag:$0x1] =	stream.indirect_vreg.gather [hbm4b:s5+s2], $0x80, v3, vm0, $0xb8;
	[tilespmem:$0x10100] =	vst v63  }
0x5e: {  	s19 =	simm.s32 $0xB900  }
0x5f: {  	[tilespmem:s19], [sflag:$0x1] =	stream.indirect_vreg.gather [hbm4b:s6+s2], $0x80, v3, vm0, $0xb8;
	[tilespmem:$0x10100] =	vst v63  }
0x60: {  	v3 =	vld [tilespmem:$0x90];
	_ =	sdelay $0x4  }
0x61: {  	v59 =	vshll.u32 v3, $0x3  }
0x62: {  	v3 =	vand.u32 $0x7, v3;
	v4 =	vand.u32 $0xFFFFFFC0, v59  }
0x63: {  	v3 =	vor.u32 v3, v4  }
0x64: {  	v4 =	vperm.xlane v3, v0;
	_ =	sdelay $0x1  }
0x65: {  	v4 =	vadd.s32 v1, v4;
	_ =	sdelay $0x3  }
0x66: {  	s19 =	simm.s32 $0xC100  }
0x67: {  	[tilespmem:s19], [sflag:$0x1] =	stream.indirect_vreg.gather [hbm4b:s3+s2], $0x80, v4, vm0, $0xb8;
	[tilespmem:$0x10100] =	vst v63  }
0x68: {  	v3 =	vperm.xlane v3, v2;
	s19 =	simm.s32 $0xC900  }
0x69: {  	[tilespmem:s19], [sflag:$0x1] =	stream.indirect_vreg.gather [hbm4b:s4+s2], $0x80, v4, vm0, $0xb8;
	[tilespmem:$0x10100] =	vst v63  }
0x6a: {  	v3 =	vadd.s32 v1, v3;
	s19 =	simm.s32 $0xD100  }
0x6b: {  	[tilespmem:s19], [sflag:$0x1] =	stream.indirect_vreg.gather [hbm4b:s5+s2], $0x80, v4, vm0, $0xb8;
	[tilespmem:$0x10100] =	vst v63  }
0x6c: {  	s19 =	simm.s32 $0xD900  }
0x6d: {  	[tilespmem:s19], [sflag:$0x1] =	stream.indirect_vreg.gather [hbm4b:s6+s2], $0x80, v4, vm0, $0xb8;
	[tilespmem:$0x10100] =	vst v63  }
0x6e: {  	s19 =	simm.s32 $0xE100  }
0x6f: {  	[tilespmem:s19], [sflag:$0x1] =	stream.indirect_vreg.gather [hbm4b:s3+s2], $0x80, v3, vm0, $0xb8;
	[tilespmem:$0x10100] =	vst v63  }
0x70: {  	s19 =	simm.s32 $0xE900  }
0x71: {  	[tilespmem:s19], [sflag:$0x1] =	stream.indirect_vreg.gather [hbm4b:s4+s2], $0x80, v3, vm0, $0xb8;
	[tilespmem:$0x10100] =	vst v63  }
0x72: {  	s19 =	simm.s32 $0xF100  }
0x73: {  	[tilespmem:s19], [sflag:$0x1] =	stream.indirect_vreg.gather [hbm4b:s5+s2], $0x80, v3, vm0, $0xb8;
	[tilespmem:$0x10100] =	vst v63  }
0x74: {  	s19 =	simm.s32 $0xF900  }
0x75: {  	[tilespmem:s19], [sflag:$0x1] =	stream.indirect_vreg.gather [hbm4b:s6+s2], $0x80, v3, vm0, $0xb8;
	[tilespmem:$0x10100] =	vst v63  }
0x76: {  	_ =	swait.ge [sflag:s8], $0x8000  }
0x77: {  	[sflag:s8] =	ssyncset.done $0x0  }
0x78: {  	[sflag:s8] =	ssyncadd.s32 $0xFFFF8000  }
0x79: {  	_ =	swait.ge [sflag:s8], $0x8000  }
0x7a: {  	[sflag:s8] =	ssyncset.done $0x0  }
0x7b: {  	s18 =	rddreg [dreg:$0x5];
	[sflag:s8] =	ssyncadd.s32 $0xFFFF8000  }
0x7c: {  	[hbm4b:s18+s2] =	stream.linear.scatter [tilespmem:s25], [sflag:$0x1], $0x8000, $0x38;
	[tilespmem:$0x10100] =	vst v63  }
0x7d: {  	s19 =	rddreg [dreg:$0x6]  }
0x7e: {  	[hbm4b:s19+s2] =	stream.linear.scatter [tilespmem:s0], [sflag:$0x1], $0x8000, $0x38;
	[tilespmem:$0x10100] =	vst v63  }
0x7f: {  	_ =	swait.ge [sflag:s8], $0x8000  }
0x80: {  	[sflag:s8] =	ssyncset.done $0x0  }
0x81: {  	[sflag:s8] =	ssyncadd.s32 $0xFFFF8000  }
0x82: {  	_ =	swait.ge [sflag:s8], $0x8000  }
0x83: {  	[sflag:s8] =	ssyncset.done $0x0  }
0x84: {  	[sflag:s8] =	ssyncadd.s32 $0xFFFF8000  }
0x85: {  	v3 =	vld [tilespmem:$0x20];
	_ =	sdelay $0x4  }
0x86: {  	v60 =	vshll.u32 v3, $0x3  }
0x87: {  	v3 =	vand.u32 $0x7, v3;
	v4 =	vand.u32 $0xFFFFFFC0, v60  }
0x88: {  	v3 =	vor.u32 v3, v4  }
0x89: {  	v4 =	vperm.xlane v3, v0;
	_ =	sdelay $0x1  }
0x8a: {  	v4 =	vadd.s32 v1, v4;
	_ =	sdelay $0x4  }
0x8b: {  	[tilespmem:s25], [sflag:$0x1] =	stream.indirect_vreg.gather [hbm4b:s3+s2], $0x80, v4, vm0, $0xb8;
	[tilespmem:$0x10100] =	vst v63  }
0x8c: {  	v3 =	vperm.xlane v3, v2  }
0x8d: {  	[tilespmem:s20], [sflag:$0x1] =	stream.indirect_vreg.gather [hbm4b:s4+s2], $0x80, v4, vm0, $0xb8;
	[tilespmem:$0x10100] =	vst v63  }
0x8e: {  	v3 =	vadd.s32 v1, v3  }
0x8f: {  	[tilespmem:s21], [sflag:$0x1] =	stream.indirect_vreg.gather [hbm4b:s5+s2], $0x80, v4, vm0, $0xb8;
	[tilespmem:$0x10100] =	vst v63  }
0x90: {  	_ = 	snop  }
0x91: {  	[tilespmem:s22], [sflag:$0x1] =	stream.indirect_vreg.gather [hbm4b:s6+s2], $0x80, v4, vm0, $0xb8;
	[tilespmem:$0x10100] =	vst v63  }
0x92: {  	_ = 	snop  }
0x93: {  	[tilespmem:s23], [sflag:$0x1] =	stream.indirect_vreg.gather [hbm4b:s3+s2], $0x80, v3, vm0, $0xb8;
	[tilespmem:$0x10100] =	vst v63  }
0x94: {  	_ = 	snop  }
0x95: {  	[tilespmem:s24], [sflag:$0x1] =	stream.indirect_vreg.gather [hbm4b:s4+s2], $0x80, v3, vm0, $0xb8;
	[tilespmem:$0x10100] =	vst v63  }
0x96: {  	_ = 	snop  }
0x97: {  	[tilespmem:s26], [sflag:$0x1] =	stream.indirect_vreg.gather [hbm4b:s5+s2], $0x80, v3, vm0, $0xb8;
	[tilespmem:$0x10100] =	vst v63  }
0x98: {  	_ = 	snop  }
0x99: {  	[tilespmem:s28], [sflag:$0x1] =	stream.indirect_vreg.gather [hbm4b:s6+s2], $0x80, v3, vm0, $0xb8;
	[tilespmem:$0x10100] =	vst v63  }
0x9a: {  	v3 =	vld [tilespmem:$0x30];
	_ =	sdelay $0x4  }
0x9b: {  	v61 =	vshll.u32 v3, $0x3  }
0x9c: {  	v3 =	vand.u32 $0x7, v3;
	v4 =	vand.u32 $0xFFFFFFC0, v61  }
0x9d: {  	v3 =	vor.u32 v3, v4  }
0x9e: {  	v4 =	vperm.xlane v3, v0;
	_ =	sdelay $0x1  }
0x9f: {  	v4 =	vadd.s32 v1, v4;
	_ =	sdelay $0x4  }
0xa0: {  	[tilespmem:s29], [sflag:$0x1] =	stream.indirect_vreg.gather [hbm4b:s3+s2], $0x80, v4, vm0, $0xb8;
	[tilespmem:$0x10100] =	vst v63  }
0xa1: {  	v3 =	vperm.xlane v3, v2  }
0xa2: {  	[tilespmem:s30], [sflag:$0x1] =	stream.indirect_vreg.gather [hbm4b:s4+s2], $0x80, v4, vm0, $0xb8;
	[tilespmem:$0x10100] =	vst v63  }
0xa3: {  	v3 =	vadd.s32 v1, v3  }
0xa4: {  	[tilespmem:s31], [sflag:$0x1] =	stream.indirect_vreg.gather [hbm4b:s5+s2], $0x80, v4, vm0, $0xb8;
	[tilespmem:$0x10100] =	vst v63  }
0xa5: {  	_ = 	snop  }
0xa6: {  	[tilespmem:s1], [sflag:$0x1] =	stream.indirect_vreg.gather [hbm4b:s6+s2], $0x80, v4, vm0, $0xb8;
	[tilespmem:$0x10100] =	vst v63  }
0xa7: {  	s18 =	simm.s32 $0x6100  }
0xa8: {  	[tilespmem:s18], [sflag:$0x1] =	stream.indirect_vreg.gather [hbm4b:s3+s2], $0x80, v3, vm0, $0xb8;
	[tilespmem:$0x10100] =	vst v63  }
0xa9: {  	_ = 	snop  }
0xaa: {  	[tilespmem:s10], [sflag:$0x1] =	stream.indirect_vreg.gather [hbm4b:s4+s2], $0x80, v3, vm0, $0xb8;
	[tilespmem:$0x10100] =	vst v63  }
0xab: {  	_ = 	snop  }
0xac: {  	[tilespmem:s11], [sflag:$0x1] =	stream.indirect_vreg.gather [hbm4b:s5+s2], $0x80, v3, vm0, $0xb8;
	[tilespmem:$0x10100] =	vst v63  }
0xad: {  	_ = 	snop  }
0xae: {  	[tilespmem:s12], [sflag:$0x1] =	stream.indirect_vreg.gather [hbm4b:s6+s2], $0x80, v3, vm0, $0xb8;
	[tilespmem:$0x10100] =	vst v63  }
0xaf: {  	v3 =	vld [tilespmem:$0xA0];
	_ =	sdelay $0x4  }
0xb0: {  	v62 =	vshll.u32 v3, $0x3  }
0xb1: {  	v3 =	vand.u32 $0x7, v3;
	v4 =	vand.u32 $0xFFFFFFC0, v62  }
0xb2: {  	v3 =	vor.u32 v3, v4  }
0xb3: {  	v4 =	vperm.xlane v3, v0;
	_ =	sdelay $0x1  }
0xb4: {  	v4 =	vadd.s32 v1, v4;
	_ =	sdelay $0x4  }
0xb5: {  	[tilespmem:s0], [sflag:$0x1] =	stream.indirect_vreg.gather [hbm4b:s3+s2], $0x80, v4, vm0, $0xb8;
	[tilespmem:$0x10100] =	vst v63  }
0xb6: {  	v3 =	vperm.xlane v3, v2  }
0xb7: {  	[tilespmem:s13], [sflag:$0x1] =	stream.indirect_vreg.gather [hbm4b:s4+s2], $0x80, v4, vm0, $0xb8;
	[tilespmem:$0x10100] =	vst v63  }
0xb8: {  	v3 =	vadd.s32 v1, v3  }
0xb9: {  	[tilespmem:s14], [sflag:$0x1] =	stream.indirect_vreg.gather [hbm4b:s5+s2], $0x80, v4, vm0, $0xb8;
	[tilespmem:$0x10100] =	vst v63  }
0xba: {  	_ = 	snop  }
0xbb: {  	[tilespmem:s15], [sflag:$0x1] =	stream.indirect_vreg.gather [hbm4b:s6+s2], $0x80, v4, vm0, $0xb8;
	[tilespmem:$0x10100] =	vst v63  }
0xbc: {  	_ = 	snop  }
0xbd: {  	[tilespmem:s16], [sflag:$0x1] =	stream.indirect_vreg.gather [hbm4b:s3+s2], $0x80, v3, vm0, $0xb8;
	[tilespmem:$0x10100] =	vst v63  }
0xbe: {  	_ = 	snop  }
0xbf: {  	[tilespmem:s17], [sflag:$0x1] =	stream.indirect_vreg.gather [hbm4b:s4+s2], $0x80, v3, vm0, $0xb8;
	[tilespmem:$0x10100] =	vst v63  }
0xc0: {  	_ = 	snop  }
0xc1: {  	[tilespmem:s9], [sflag:$0x1] =	stream.indirect_vreg.gather [hbm4b:s5+s2], $0x80, v3, vm0, $0xb8;
	[tilespmem:$0x10100] =	vst v63  }
0xc2: {  	s19 =	simm.s32 $0xB900  }
0xc3: {  	[tilespmem:s19], [sflag:$0x1] =	stream.indirect_vreg.gather [hbm4b:s6+s2], $0x80, v3, vm0, $0xb8;
	[tilespmem:$0x10100] =	vst v63  }
0xc4: {  	v3 =	vld [tilespmem:$0xB0];
	_ =	sdelay $0x4  }
0xc5: {  	v63 =	vshll.u32 v3, $0x3  }
0xc6: {  	v3 =	vand.u32 $0x7, v3;
	v4 =	vand.u32 $0xFFFFFFC0, v63  }
0xc7: {  	v3 =	vor.u32 v3, v4  }
0xc8: {  	v4 =	vperm.xlane v3, v0;
	_ =	sdelay $0x1  }
0xc9: {  	v4 =	vadd.s32 v1, v4;
	_ =	sdelay $0x3  }
0xca: {  	s20 =	simm.s32 $0xC100  }
0xcb: {  	[tilespmem:s20], [sflag:$0x1] =	stream.indirect_vreg.gather [hbm4b:s3+s2], $0x80, v4, vm0, $0xb8;
	[tilespmem:$0x10100] =	vst v63  }
0xcc: {  	s18 =	simm.s32 $0xC900;
	v3 =	vperm.xlane v3, v2  }
0xcd: {  	[tilespmem:s18], [sflag:$0x1] =	stream.indirect_vreg.gather [hbm4b:s4+s2], $0x80, v4, vm0, $0xb8;
	[tilespmem:$0x10100] =	vst v63  }
0xce: {  	s19 =	simm.s32 $0xD100;
	v3 =	vadd.s32 v1, v3  }
0xcf: {  	[tilespmem:s19], [sflag:$0x1] =	stream.indirect_vreg.gather [hbm4b:s5+s2], $0x80, v4, vm0, $0xb8;
	[tilespmem:$0x10100] =	vst v63  }
0xd0: {  	s20 =	simm.s32 $0xD900  }
0xd1: {  	[tilespmem:s20], [sflag:$0x1] =	stream.indirect_vreg.gather [hbm4b:s6+s2], $0x80, v4, vm0, $0xb8;
	[tilespmem:$0x10100] =	vst v63  }
0xd2: {  	s18 =	simm.s32 $0xE100  }
0xd3: {  	[tilespmem:s18], [sflag:$0x1] =	stream.indirect_vreg.gather [hbm4b:s3+s2], $0x80, v3, vm0, $0xb8;
	[tilespmem:$0x10100] =	vst v63  }
0xd4: {  	s19 =	simm.s32 $0xE900  }
0xd5: {  	[tilespmem:s19], [sflag:$0x1] =	stream.indirect_vreg.gather [hbm4b:s4+s2], $0x80, v3, vm0, $0xb8;
	[tilespmem:$0x10100] =	vst v63  }
0xd6: {  	s20 =	simm.s32 $0xF100  }
0xd7: {  	[tilespmem:s20], [sflag:$0x1] =	stream.indirect_vreg.gather [hbm4b:s5+s2], $0x80, v3, vm0, $0xb8;
	[tilespmem:$0x10100] =	vst v63  }
0xd8: {  	s18 =	simm.s32 $0xF900  }
0xd9: {  	[tilespmem:s18], [sflag:$0x1] =	stream.indirect_vreg.gather [hbm4b:s6+s2], $0x80, v3, vm0, $0xb8;
	[tilespmem:$0x10100] =	vst v63  }
0xda: {  	_ =	swait.ge [sflag:s8], $0x8000  }
0xdb: {  	[sflag:s8] =	ssyncset.done $0x0  }
0xdc: {  	[sflag:s8] =	ssyncadd.s32 $0xFFFF8000  }
0xdd: {  	_ =	swait.ge [sflag:s8], $0x8000  }
0xde: {  	[sflag:s8] =	ssyncset.done $0x0  }
0xdf: {  	s19 =	rddreg [dreg:$0x7];
	[sflag:s8] =	ssyncadd.s32 $0xFFFF8000  }
0xe0: {  	[hbm4b:s19+s2] =	stream.linear.scatter [tilespmem:s25], [sflag:$0x1], $0x8000, $0x38;
	[tilespmem:$0x10100] =	vst v63  }
0xe1: {  	s20 =	rddreg [dreg:$0x8]  }
0xe2: {  	[hbm4b:s20+s2] =	stream.linear.scatter [tilespmem:s0], [sflag:$0x1], $0x8000, $0x38;
	[tilespmem:$0x10100] =	vst v63  }
0xe3: {  	p0 =	sne.s32 s7, $0x1;
	_ =	swait.ge [sflag:s8], $0x8000  }
.Ltmp0:
0xe4: {  	[sflag:s8] =	ssyncset.done $0x0;
	(pc) =	sbr.rel @p0 .LBB2_1-.Ltmp0, $4  }
0xe5: {  	[sflag:s8] =	ssyncadd.s32 $0xFFFF8000  }
0xe6: {  	_ =	swait.ge [sflag:s8], $0x8000  }
0xe7: {  	[sflag:s8] =	ssyncset.done $0x0  }
0xe8: {  	s7 =	sadd.s32 $0xFFFFFFFF, s7;
	[sflag:s8] =	ssyncadd.s32 $0xFFFF8000  }
0xe9: {  	_ =	sfence.sel $0x180000  }
0xea: {  	[bflag:$0x0] =	sbarrier.arrive $0xFFFF  }
0xeb: {  	_ =	strace $0x9000004A  }
0xec: {  	s0 =	stileid.u32;
	[bflag:$0x2] =	sbarrier.arrive $0xFFFF  }
0xed: {  	p0 =	sne.s32 s0, $0x0;
	s0 =	rddreg [dreg:$0x2]  }
0xee: {  	s0 =	sadd.s32 @!p0 $0x100000, s0  }
0xef: {  	[sflag:s0] =	ssyncadd.tile.s32 @!p0 $0x1;
	_ =	shalt  }
.Lfunc_end2:
_tile_overlayer_lowered:
.L_overlay_start_2:
0xf0: {  	(tag) =	ssettag $0x2  }
0xf1: {  	s0 =	rddreg [dreg:$0x0];
	s2 =	stileid.u32  }
0xf2: {  	s1 =	rddreg [dreg:$0x1];
	p0 =	sne.s32 s2, $0x0  }
0xf3: {  	s3 =	rddreg [dreg:$0x2];
	[bflag:$0x3] =	sbarrier.arrive $0xFFFF;
	s2 =	simm.s32 @!p0 $0x1C02  }
0xf4: {  	[timem:s3], [sflag:s2] =	dma.local @!p0 [hbm:s0], s1  }
0xf5: {  	s0 =	simm.s32 @!p0 $0x2  }
0xf6: {  	_ =	swait.ge @!p0 [sflag:s0], s1  }
0xf7: {  	s1 =	ssub.s32 @!p0 $0x0, s1;
	[sflag:s0] =	ssyncset.done @!p0 $0x0  }
0xf8: {  	[sflag:s0] =	ssyncadd.s32 @!p0 s1  }
0xf9: {  	[bflag:$0x3] =	sbarrier.arrive $0xFFFF  }
0xfa: {  	_ =	shalt  }

// kernel: kernel.8.cloned.1.call-start
scs
__scs_entry_jumppad:
0x0: {  	(pc) =	sbr.rel $0x88, $3  }
0x1: {  	(tag) =	ssettag $0x0;
	lr =	simm.s32 $0x1  }
0x2: {  	[smem:$0x3F98] =	sst lr;
	_ =	strace $0xD0000000  }
0x3: {  	_ = 	snop  }
0x4: {  	_ = 	snop  }
0x5: {  	_ = 	snop  }
0x6: {  	_ = 	snop  }
0x7: {  	_ = 	snop  }
__scs_overlays_trampoline_lowered:
0x8: {  	[smem:$0x3FA7] =	sst s0  }
0x9: {  	[smem:$0x3FA8] =	sst s1  }
0xa: {  	[smem:$0x3FA9] =	sst s2  }
0xb: {  	[smem:$0x3FAA] =	sst s3  }
0xc: {  	[smem:$0x3FAB] =	sst s4  }
0xd: {  	[smem:$0x3FAC] =	sst s5  }
0xe: {  	[smem:$0x3FAD] =	sst s6  }
0xf: {  	[smem:$0x3FAE] =	sst s7  }
0x10: {  	[smem:$0x3FAF] =	sst s8  }
0x11: {  	[smem:$0x3FB0] =	sst s9;
	s0 =	simm.s32 @!p0 $0x0  }
0x12: {  	s1 =	sld [smem:$0x3F96];
	s0 =	simm.s32 @p0 $0x1  }
0x13: {  	[smem:$0x3FB1] =	sst s0;
	s0 =	simm.s32 @!p1 $0x0  }
0x14: {  	s2 =	sld [smem:$0x3F95];
	s0 =	simm.s32 @p1 $0x1  }
0x15: {  	[smem:$0x3FB2] =	sst s0;
	s0 =	simm.s32 @!p2 $0x0  }
0x16: {  	s3 =	sld [smem:$0x3FDB];
	s0 =	simm.s32 @p2 $0x1  }
0x17: {  	s4 =	simm.s32 $0x1BF5;
	[smem:$0x3FB4] =	sst s0  }
0x18: {  	s0 =	sld [smem:$0x3F97];
	_ =	swait.ge [sflag:s4], $0x0  }
0x19: {  	s7 =	sld [smem:$0x3F98]  }
0x1a: {  	s8 =	sadd.s32 $0xFFFFE003, lr  }
0x1b: {  	s9 =	sadd.s32 $0xFFFFFEF7, lr;
	s5 =	simm.s32 $0xFFFFFFFF;
	p2 =	slt.u32 s8, $0xFFFFF086  }
0x1c: {  	p1 =	slt.u32 s9, $0xF7A;
	s5 =	simm.s32 @!p2 $0x0  }
0x1d: {  	s5 =	simm.s32 @p1 $0x1;
	p0 =	seq.s32 s7, s2  }
0x1e: {  	s7 =	smul.u32 @!p0 $0xF7A, s2;
	p2 =	seq.s32 @!p0 s5, $0x0  }
0x1f: {  	s9 =	smul.u32 $0xF7A, s1;
	s8 =	simm.s32 @!p0 $0x1BF5;
	p2 =	por !p2, p0  }
0x20: {  	[sflag:s8] =	ssyncset.s32 @!p0 $0xFFFFF086;
	s6 =	sadd.s32 @!p0 s3, s7;
	s7 =	simm.s32 @!p0 $0x108  }
0x21: {  	s3 =	sadd.s32 s3, s9;
	s6 =	sadd.s32 @!p0 $0x88, s6;
	s7 =	simm.s32 @p2 $0x1082  }
0x22: {  	[simem:s7], [sflag:s8] =	dma.local @!p0 [hbm:s6], $0xF7A  }
0x23: {  	s9 =	sor.u32 $0xD0000000, s2;
	s6 =	simm.s32 $0x108;
	_ =	swait.ge @!p0 [sflag:s8], $0x0  }
0x24: {  	s3 =	sadd.s32 $0x88, s3;
	s6 =	simm.s32 @!p1 $0x1082;
	[sflag:s4] =	ssyncset.s32 $0xFFFFF086  }
0x25: {  	[simem:s6], [sflag:s4] =	dma.local [hbm:s3], $0xF7A  }
0x26: {  	[smem:$0x3F98] =	sst s1;
	(tag) =	ssettag s2;
	_ =	strace s9  }
0x27: {  	s1 =	sld [smem:$0x3FA8]  }
0x28: {  	s2 =	sld [smem:$0x3FA9]  }
0x29: {  	s4 =	sld [smem:$0x3FAB]  }
0x2a: {  	p0 =	seq.s32 s5, $0x0;
	s5 =	sld [smem:$0x3FAC]  }
0x2b: {  	s6 =	sld [smem:$0x3FAD]  }
0x2c: {  	s7 =	sld [smem:$0x3FAE]  }
0x2d: {  	s3 =	simm.s32 $0x108;
	s8 =	sld [smem:$0x3FAF]  }
0x2e: {  	s3 =	simm.s32 @!p0 $0x1082;
	s9 =	sld [smem:$0x3FB0]  }
0x2f: {  	lr =	sadd.s32 s0, s3;
	s0 =	sld [smem:$0x3FA7]  }
0x30: {  	s3 =	sld [smem:$0x3FAA]  }
0x31: {  	[smem:$0x3FB3] =	sst s10  }
0x32: {  	s10 =	sld [smem:$0x3FB1];
	_ =	sdelay $0x3  }
0x33: {  	p0 =	seq.s32 s10, $0x1;
	s10 =	sld [smem:$0x3FB3];
	_ =	sdelay $0x3  }
0x34: {  	[smem:$0x3FB3] =	sst s10  }
0x35: {  	s10 =	sld [smem:$0x3FB2];
	_ =	sdelay $0x3  }
0x36: {  	p1 =	seq.s32 s10, $0x1;
	s10 =	sld [smem:$0x3FB3];
	_ =	sdelay $0x3  }
0x37: {  	[smem:$0x3FB3] =	sst s10  }
0x38: {  	s10 =	sld [smem:$0x3FB4]  }
0x39: {  	_ = 	snop;
	(pc) =	sbr.ind lr, $3  }
0x3a: {  	_ = 	snop  }
0x3b: {  	_ = 	snop  }
0x3c: {  	p2 =	seq.s32 s10, $0x1;
	s10 =	sld [smem:$0x3FB3]  }
0x3d: {  	_ =	shalt  }
0x3e: {  	_ =	shalt  }
0x3f: {  	_ =	shalt  }
0x40: {  	_ =	shalt  }
0x41: {  	_ =	shalt  }
0x42: {  	_ =	shalt  }
0x43: {  	_ =	shalt  }
0x44: {  	_ =	shalt  }
0x45: {  	_ =	shalt  }
0x46: {  	_ =	shalt  }
0x47: {  	_ =	shalt  }
0x48: {  	_ =	shalt  }
0x49: {  	_ =	shalt  }
0x4a: {  	_ =	shalt  }
0x4b: {  	_ =	shalt  }
0x4c: {  	_ =	shalt  }
0x4d: {  	_ =	shalt  }
0x4e: {  	_ =	shalt  }
0x4f: {  	_ =	shalt  }
0x50: {  	_ =	shalt  }
0x51: {  	_ =	shalt  }
0x52: {  	_ =	shalt  }
0x53: {  	_ =	shalt  }
0x54: {  	_ =	shalt  }
0x55: {  	_ =	shalt  }
0x56: {  	_ =	shalt  }
0x57: {  	_ =	shalt  }
0x58: {  	_ =	shalt  }
0x59: {  	_ =	shalt  }
0x5a: {  	_ =	shalt  }
0x5b: {  	_ =	shalt  }
0x5c: {  	_ =	shalt  }
0x5d: {  	_ =	shalt  }
0x5e: {  	_ =	shalt  }
0x5f: {  	_ =	shalt  }
0x60: {  	_ =	shalt  }
0x61: {  	_ =	shalt  }
0x62: {  	_ =	shalt  }
0x63: {  	_ =	shalt  }
0x64: {  	_ =	shalt  }
0x65: {  	_ =	shalt  }
0x66: {  	_ =	shalt  }
0x67: {  	_ =	shalt  }
0x68: {  	_ =	shalt  }
0x69: {  	_ =	shalt  }
0x6a: {  	_ =	shalt  }
0x6b: {  	_ =	shalt  }
0x6c: {  	_ =	shalt  }
0x6d: {  	_ =	shalt  }
0x6e: {  	_ =	shalt  }
0x6f: {  	_ =	shalt  }
0x70: {  	_ =	shalt  }
0x71: {  	_ =	shalt  }
0x72: {  	_ =	shalt  }
0x73: {  	_ =	shalt  }
0x74: {  	_ =	shalt  }
0x75: {  	_ =	shalt  }
0x76: {  	_ =	shalt  }
0x77: {  	_ =	shalt  }
0x78: {  	_ =	shalt  }
0x79: {  	_ =	shalt  }
0x7a: {  	_ =	shalt  }
0x7b: {  	_ =	shalt  }
0x7c: {  	_ =	shalt  }
0x7d: {  	_ =	shalt  }
0x7e: {  	_ =	shalt  }
0x7f: {  	_ =	shalt  }
0x80: {  	_ =	shalt  }
0x81: {  	_ =	shalt  }
0x82: {  	_ =	shalt  }
0x83: {  	_ =	shalt  }
0x84: {  	_ =	shalt  }
0x85: {  	_ =	shalt  }
0x86: {  	_ =	shalt  }
0x87: {  	_ =	shalt  }
.Lfunc_end0:
.L_simem_size_0:
called_computation_lowered:
.L_overlay_start_0:
0x88: {  	s2 =	sld [smem:$0x3FD9]  }
0x89: {  	s3 =	sld [smem:$0x3FFE];
	_ =	sdelay $0x1  }
0x8a: {  	s1 =	srdreg.scid  }
0x8b: {  	s0 =	sand.u32 $0x1, s1  }
0x8c: {  	s17 =	sshll.u32 s0, $0xA;
	s2 =	sadd.s32 s3, s2  }
0x8d: {  	s2 =	sadd.s32 s2, s17  }
0x8e: {  	[smem:$0x3FBF] =	sst s2  }
0x8f: {  	_ = 	snop  }
0x90: {  	s2 =	sld [smem:$0x3FC9];
	(tm) =	ssettm $0x1  }
0x91: {  	s18 =	sld [smem:$0x3FFB];
	_ =	sdelay $0x3  }
0x92: {  	_ =	strace s18  }
0x93: {  	s3 =	sld [smem:$0x3FFC];
	_ =	sdelay $0x3  }
0x94: {  	_ =	strace s3  }
0x95: {  	s3 =	sld [smem:$0x3FFD];
	_ =	sdelay $0x3  }
0x96: {  	_ =	strace s3  }
0x97: {  	_ =	strace $0x8FFFFFFF  }
0x98: {  	s19 =	sld [smem:$0x3FDB];
	_ =	sdelay $0x1  }
0x99: {  	s4 =	simm.s32 $_scs_section_size  }
0x9a: {  	s5 =	simm.s32 $_size__tile_overlayer_lowered;
	s6 =	simm.s32 $_tile_overlayer_lowered  }
0x9b: {  	s22 =	simm.s32 $0x1BFF;
	s21 =	sshll.u32 s6, $0x1;
	s3 =	sadd.s32 s4, s19  }
0x9c: {  	s7 =	simm.s32 $0x0;
	s20 =	sshll.u32 s5, $0x1;
	s5 =	sadd.s32 s21, s3  }
0x9d: {  	[timem:s7], [sflag:s22] =	dma.local [hbm:s5], s20  }
0x9e: {  	_ =	swait.ge [sflag:s22], s20  }
0x9f: {  	s4 =	ssub.s32 $0x0, s20;
	[sflag:s22] =	ssyncset.done $0x0  }
0xa0: {  	[sflag:s22] =	ssyncadd.s32 s4;
	_ =	sdelay $0x1  }
0xa1: {  	s23 =	simm.s32 $0x1B8B  }
0xa2: {  	_ =	swait.ge [sflag:s23], $0x1  }
0xa3: {  	[sflag:s23] =	ssyncset.done $0x0  }
0xa4: {  	s25 =	simm.s32 $0x1B8E;
	s24 =	sld [smem:$0x3FFE];
	[sflag:s23] =	ssyncadd.s32 $0xFFFFFFFF  }
0xa5: {  	s26 =	simm.s32 $execute0_lowered;
	[smem:$0x3FD2] =	sst s25  }
0xa6: {  	s5 =	sshll.u32 s26, $0x1;
	_ =	strace $0x80000046;
	[dreg:$0x1] =	wrdreg $0xFFFFFFFF  }
0xa7: {  	s28 =	simm.s32 $_size_execute0_lowered;
	s3 =	sadd.s32 s3, s5;
	[dreg:$0x0] =	wrdreg $0x0  }
0xa8: {  	s5 =	sshll.u32 s28, $0x1;
	[dreg:$0x2] =	wrdreg s3  }
0xa9: {  	[dreg:$0x3] =	wrdreg s5  }
0xaa: {  	[dreg:$0x4] =	wrdreg $0xC0  }
0xab: {  	_ =	task [dreg:s7], $0x5FFFF  }
0xac: {  	[dreg:$0x1] =	wrdreg $0xFFFFFFFF  }
0xad: {  	[dreg:$0x0] =	wrdreg $0x60  }
0xae: {  	[dreg:$0x2] =	wrdreg s2  }
0xaf: {  	[dreg:$0x3] =	wrdreg s24  }
0xb0: {  	[dreg:$0x4] =	wrdreg $0x9  }
0xb1: {  	_ =	task.clear_ibuf [dreg:s7], $0x5FFFF;
	_ =	strace $0x90000046  }
0xb2: {  	s29 =	simm.s32 $0x9;
	_ =	strace $0x80000048  }
0xb3: {  	_ =	swait.ge [sflag:s29], $0x1  }
0xb4: {  	[sflag:s29] =	ssyncadd.s32 $0xFFFFFFFF  }
0xb5: {  	_ =	strace $0x90000048  }
0xb6: {  	_ =	sfence  }
0xb7: {  	s30 =	sld [smem:$0x0];
	_ =	sdelay $0x2  }
0xb8: {  	s31 =	sshll.u32 s1, $0xD;
	s1 =	sshrl.u32 s1, $0x2  }
0xb9: {  	s3 =	sand.u32 $0x4000, s31;
	s1 =	sadd.s32 s1, s30  }
0xba: {  	s0 =	sor.u32 s3, s0;
	s1 =	sshll.u32 s1, $0x11  }
0xbb: {  	s0 =	sor.u32 s1, s0  }
0xbc: {  	s0 =	sadd.s32 $0x8F2B, s0  }
0xbd: {  	[sflag:s0] =	ssyncadd.remote.s32 $0x1  }
0xbe: {  	_ =	sfence.sel $0xFFFF  }
0xbf: {  	[dreg:$0x0] =	wrdreg $0xFFFFFFFF;
	(pc) =	sbr.abs _section_cstart, $3  }
0xc0: {  	[dreg:$0x1] =	wrdreg $0xFFFFFFFF  }
0xc1: {  	_ =	task.clear_ibuf [dreg:s7], $0x2FFFF;
	_ =	strace $0x9FFFFFFF  }
0xc2: {  	(tm) =	ssettm $0x7FFFFFFF  }
0xc3: {  	_ =	shalt  }
tec
execute0_lowered:
.L_overlay_start_1:
0x0: {  	(tag) =	ssettag $0x1  }
0x1: {  	s0 =	srdreg.scid;
	s1 =	rddreg [dreg:$0x0]  }
0x2: {  	s2 =	stileid.u32;
	s6 =	rddreg [dreg:$0x1]  }
0x3: {  	s26 =	simm.s32 $0x80;
	s9 =	simm.s32 $0x1;
	s21 =	simm.s32 $0x2100  }
0x4: {  	s22 =	simm.s32 $0x2900;
	s23 =	simm.s32 $0x3100;
	s28 =	simm.s32 $0x5100  }
0x5: {  	s29 =	simm.s32 $0x5900;
	s30 =	simm.s32 $0x6100;
	s31 =	simm.s32 $0x6900  }
0x6: {  	s10 =	simm.s32 $0x8100;
	s11 =	simm.s32 $0x8900;
	s12 =	simm.s32 $0x9100  }
0x7: {  	s13 =	simm.s32 $0x9900;
	s14 =	simm.s32 $0xA100;
	s15 =	simm.s32 $0xA900  }
0x8: {  	s16 =	simm.s32 $0xB100;
	s17 =	simm.s32 $0xB900;
	s0 =	sand.u32 $0x1, s0  }
0x9: {  	s3 =	sshll.u32 s2, $0x7;
	s2 =	simm.s32 $0x0;
	s4 =	sshll.u32 s0, $0x6  }
0xa: {  	[smem:$0x7FF] =	sst s2;
	s0 =	ssub.s32 $0x2, s0;
	s3 =	sor.u32 s4, s3  }
0xb: {  	_ =	strace $0x80000047;
	s5 =	sshrl.u32 s0, $0x1;
	[dreg:$0x6] =	wrdreg s26  }
0xc: {  	s26 =	simm.s32 $0x4900;
	s4 =	sshrl.u32 s3, $0x3;
	s3 =	sshll.u32 s3, $0x7  }
0xd: {  	s0 =	ssub.s32 s0, s5;
	s5 =	sadd.s32 $0x1600, s6;
	s4 =	sadd.s32 s4, s6  }
0xe: {  	s1 =	sadd.s32 s1, s3;
	s3 =	sadd.s32 $0x1400, s6;
	s7 =	smax.u32 s0, $0x1  }
0xf: {  	v2 =	vlaneseq.u32;
	[dreg:$0x3] =	wrdreg s1;
	s24 =	sadd.s32 $0x1000, s4;
	s25 =	sadd.s32 $0x1200, s4  }
0x10: {  	vm0 =	vmmov $0xffff;
	v1 =	vshrl.u32 v2, $0x3;
	s4 =	sadd.s32 $0x1500, s6;
	s6 =	sadd.s32 $0x1700, s6;
	[dreg:$0x4] =	wrdreg s24  }
0x11: {  	v0 =	vand.u32 $0x7, v2;
	v2 =	vor.u32 $0x8, v2;
	v1 =	vmul.u32 $0x8, v1;
	[dreg:$0x5] =	wrdreg s25;
	s24 =	simm.s32 $0x3900;
	s25 =	simm.s32 $0x4100  }
.LBB2_1:
0x12: {  	s18 =	rddreg [dreg:$0x3]  }
0x13: {  	s0 =	simm.s32 $0x100;
	s8 =	rddreg [dreg:$0x4]  }
0x14: {  	[tilespmem:s0], [sflag:$0x1] =	stream.linear.gather [hbm4b:s18+s2], $0x10000, $0x38;
	[tilespmem:$0x10100] =	vst v63  }
0x15: {  	s19 =	rddreg [dreg:$0x5]  }
0x16: {  	[tilespmem:s2], [sflag:$0x1] =	stream.linear.gather [hbm4b:s8+s2], $0x40, $0x38;
	[tilespmem:$0x10100] =	vst v63  }
0x17: {  	s20 =	rddreg [dreg:$0x6]  }
0x18: {  	[tilespmem:s20], [sflag:$0x1] =	stream.linear.gather [hbm4b:s19+s2], $0x40, $0x38;
	[tilespmem:$0x10100] =	vst v63  }
0x19: {  	_ =	swait.ge [sflag:s9], $0x10000  }
0x1a: {  	[sflag:s9] =	ssyncset.done $0x0  }
0x1b: {  	[sflag:s9] =	ssyncadd.s32 $0xFFFF0000  }
0x1c: {  	_ =	swait.ge [sflag:s9], $0x40  }
0x1d: {  	[sflag:s9] =	ssyncset.done $0x0  }
0x1e: {  	[sflag:s9] =	ssyncadd.s32 $0xFFFFFFC0  }
0x1f: {  	_ =	swait.ge [sflag:s9], $0x40  }
0x20: {  	[sflag:s9] =	ssyncset.done $0x0  }
0x21: {  	[sflag:s9] =	ssyncadd.s32 $0xFFFFFFC0  }
0x22: {  	v3 =	vld [tilespmem:$0x0];
	_ =	sdelay $0x4  }
0x23: {  	v4 =	vshll.u32 v3, $0x3  }
0x24: {  	v3 =	vand.u32 $0x7, v3;
	v4 =	vand.u32 $0xFFFFFFC0, v4  }
0x25: {  	v3 =	vor.u32 v3, v4  }
0x26: {  	v4 =	vperm.xlane v3, v0;
	_ =	sdelay $0x1  }
0x27: {  	v4 =	vadd.s32 v1, v4;
	_ =	sdelay $0x4  }
0x28: {  	[hbm4b:s3+s2] =	stream.indirect_vreg.scatter [tilespmem:s0], [sflag:$0x1], $0x80, v4, vm0, $0xb8;
	[tilespmem:$0x10100] =	vst v63  }
0x29: {  	s18 =	simm.s32 $0x900;
	v3 =	vperm.xlane v3, v2  }
0x2a: {  	[hbm4b:s4+s2] =	stream.indirect_vreg.scatter [tilespmem:s18], [sflag:$0x1], $0x80, v4, vm0, $0xb8;
	[tilespmem:$0x10100] =	vst v63  }
0x2b: {  	s19 =	simm.s32 $0x1100;
	v3 =	vadd.s32 v1, v3  }
0x2c: {  	[hbm4b:s5+s2] =	stream.indirect_vreg.scatter [tilespmem:s19], [sflag:$0x1], $0x80, v4, vm0, $0xb8;
	[tilespmem:$0x10100] =	vst v63  }
0x2d: {  	s20 =	simm.s32 $0x1900  }
0x2e: {  	[hbm4b:s6+s2] =	stream.indirect_vreg.scatter [tilespmem:s20], [sflag:$0x1], $0x80, v4, vm0, $0xb8;
	[tilespmem:$0x10100] =	vst v63  }
0x2f: {  	_ = 	snop  }
0x30: {  	[hbm4b:s3+s2] =	stream.indirect_vreg.scatter [tilespmem:s21], [sflag:$0x1], $0x80, v3, vm0, $0xb8;
	[tilespmem:$0x10100] =	vst v63  }
0x31: {  	_ = 	snop  }
0x32: {  	[hbm4b:s4+s2] =	stream.indirect_vreg.scatter [tilespmem:s22], [sflag:$0x1], $0x80, v3, vm0, $0xb8;
	[tilespmem:$0x10100] =	vst v63  }
0x33: {  	_ = 	snop  }
0x34: {  	[hbm4b:s5+s2] =	stream.indirect_vreg.scatter [tilespmem:s23], [sflag:$0x1], $0x80, v3, vm0, $0xb8;
	[tilespmem:$0x10100] =	vst v63  }
0x35: {  	_ = 	snop  }
0x36: {  	[hbm4b:s6+s2] =	stream.indirect_vreg.scatter [tilespmem:s24], [sflag:$0x1], $0x80, v3, vm0, $0xb8;
	[tilespmem:$0x10100] =	vst v63  }
0x37: {  	v3 =	vld [tilespmem:$0x10];
	_ =	sdelay $0x4  }
0x38: {  	v57 =	vshll.u32 v3, $0x3  }
0x39: {  	v3 =	vand.u32 $0x7, v3;
	v4 =	vand.u32 $0xFFFFFFC0, v57  }
0x3a: {  	v3 =	vor.u32 v3, v4  }
0x3b: {  	v4 =	vperm.xlane v3, v0;
	_ =	sdelay $0x1  }
0x3c: {  	v4 =	vadd.s32 v1, v4;
	_ =	sdelay $0x4  }
0x3d: {  	[hbm4b:s3+s2] =	stream.indirect_vreg.scatter [tilespmem:s25], [sflag:$0x1], $0x80, v4, vm0, $0xb8;
	[tilespmem:$0x10100] =	vst v63  }
0x3e: {  	v3 =	vperm.xlane v3, v2  }
0x3f: {  	[hbm4b:s4+s2] =	stream.indirect_vreg.scatter [tilespmem:s26], [sflag:$0x1], $0x80, v4, vm0, $0xb8;
	[tilespmem:$0x10100] =	vst v63  }
0x40: {  	v3 =	vadd.s32 v1, v3  }
0x41: {  	[hbm4b:s5+s2] =	stream.indirect_vreg.scatter [tilespmem:s28], [sflag:$0x1], $0x80, v4, vm0, $0xb8;
	[tilespmem:$0x10100] =	vst v63  }
0x42: {  	_ = 	snop  }
0x43: {  	[hbm4b:s6+s2] =	stream.indirect_vreg.scatter [tilespmem:s29], [sflag:$0x1], $0x80, v4, vm0, $0xb8;
	[tilespmem:$0x10100] =	vst v63  }
0x44: {  	_ = 	snop  }
0x45: {  	[hbm4b:s3+s2] =	stream.indirect_vreg.scatter [tilespmem:s30], [sflag:$0x1], $0x80, v3, vm0, $0xb8;
	[tilespmem:$0x10100] =	vst v63  }
0x46: {  	_ = 	snop  }
0x47: {  	[hbm4b:s4+s2] =	stream.indirect_vreg.scatter [tilespmem:s31], [sflag:$0x1], $0x80, v3, vm0, $0xb8;
	[tilespmem:$0x10100] =	vst v63  }
0x48: {  	s1 =	simm.s32 $0x7100  }
0x49: {  	[hbm4b:s5+s2] =	stream.indirect_vreg.scatter [tilespmem:s1], [sflag:$0x1], $0x80, v3, vm0, $0xb8;
	[tilespmem:$0x10100] =	vst v63  }
0x4a: {  	s8 =	simm.s32 $0x7900  }
0x4b: {  	[hbm4b:s6+s2] =	stream.indirect_vreg.scatter [tilespmem:s8], [sflag:$0x1], $0x80, v3, vm0, $0xb8;
	[tilespmem:$0x10100] =	vst v63  }
0x4c: {  	v3 =	vld [tilespmem:$0x20];
	_ =	sdelay $0x4  }
0x4d: {  	v58 =	vshll.u32 v3, $0x3  }
0x4e: {  	v3 =	vand.u32 $0x7, v3;
	v4 =	vand.u32 $0xFFFFFFC0, v58  }
0x4f: {  	v3 =	vor.u32 v3, v4  }
0x50: {  	v4 =	vperm.xlane v3, v0;
	_ =	sdelay $0x1  }
0x51: {  	v4 =	vadd.s32 v1, v4;
	_ =	sdelay $0x4  }
0x52: {  	[hbm4b:s3+s2] =	stream.indirect_vreg.scatter [tilespmem:s10], [sflag:$0x1], $0x80, v4, vm0, $0xb8;
	[tilespmem:$0x10100] =	vst v63  }
0x53: {  	v3 =	vperm.xlane v3, v2  }
0x54: {  	[hbm4b:s4+s2] =	stream.indirect_vreg.scatter [tilespmem:s11], [sflag:$0x1], $0x80, v4, vm0, $0xb8;
	[tilespmem:$0x10100] =	vst v63  }
0x55: {  	v3 =	vadd.s32 v1, v3  }
0x56: {  	[hbm4b:s5+s2] =	stream.indirect_vreg.scatter [tilespmem:s12], [sflag:$0x1], $0x80, v4, vm0, $0xb8;
	[tilespmem:$0x10100] =	vst v63  }
0x57: {  	_ = 	snop  }
0x58: {  	[hbm4b:s6+s2] =	stream.indirect_vreg.scatter [tilespmem:s13], [sflag:$0x1], $0x80, v4, vm0, $0xb8;
	[tilespmem:$0x10100] =	vst v63  }
0x59: {  	_ = 	snop  }
0x5a: {  	[hbm4b:s3+s2] =	stream.indirect_vreg.scatter [tilespmem:s14], [sflag:$0x1], $0x80, v3, vm0, $0xb8;
	[tilespmem:$0x10100] =	vst v63  }
0x5b: {  	_ = 	snop  }
0x5c: {  	[hbm4b:s4+s2] =	stream.indirect_vreg.scatter [tilespmem:s15], [sflag:$0x1], $0x80, v3, vm0, $0xb8;
	[tilespmem:$0x10100] =	vst v63  }
0x5d: {  	_ = 	snop  }
0x5e: {  	[hbm4b:s5+s2] =	stream.indirect_vreg.scatter [tilespmem:s16], [sflag:$0x1], $0x80, v3, vm0, $0xb8;
	[tilespmem:$0x10100] =	vst v63  }
0x5f: {  	_ = 	snop  }
0x60: {  	[hbm4b:s6+s2] =	stream.indirect_vreg.scatter [tilespmem:s17], [sflag:$0x1], $0x80, v3, vm0, $0xb8;
	[tilespmem:$0x10100] =	vst v63  }
0x61: {  	v3 =	vld [tilespmem:$0x30];
	_ =	sdelay $0x4  }
0x62: {  	v59 =	vshll.u32 v3, $0x3  }
0x63: {  	v3 =	vand.u32 $0x7, v3;
	v4 =	vand.u32 $0xFFFFFFC0, v59  }
0x64: {  	v3 =	vor.u32 v3, v4  }
0x65: {  	v4 =	vperm.xlane v3, v0;
	_ =	sdelay $0x1  }
0x66: {  	v4 =	vadd.s32 v1, v4;
	_ =	sdelay $0x3  }
0x67: {  	s8 =	simm.s32 $0xC100  }
0x68: {  	[hbm4b:s3+s2] =	stream.indirect_vreg.scatter [tilespmem:s8], [sflag:$0x1], $0x80, v4, vm0, $0xb8;
	[tilespmem:$0x10100] =	vst v63  }
0x69: {  	s1 =	simm.s32 $0xC900;
	v3 =	vperm.xlane v3, v2  }
0x6a: {  	[hbm4b:s4+s2] =	stream.indirect_vreg.scatter [tilespmem:s1], [sflag:$0x1], $0x80, v4, vm0, $0xb8;
	[tilespmem:$0x10100] =	vst v63  }
0x6b: {  	v3 =	vadd.s32 v1, v3;
	s1 =	simm.s32 $0xD100  }
0x6c: {  	[hbm4b:s5+s2] =	stream.indirect_vreg.scatter [tilespmem:s1], [sflag:$0x1], $0x80, v4, vm0, $0xb8;
	[tilespmem:$0x10100] =	vst v63  }
0x6d: {  	s1 =	simm.s32 $0xD900  }
0x6e: {  	[hbm4b:s6+s2] =	stream.indirect_vreg.scatter [tilespmem:s1], [sflag:$0x1], $0x80, v4, vm0, $0xb8;
	[tilespmem:$0x10100] =	vst v63  }
0x6f: {  	s1 =	simm.s32 $0xE100  }
0x70: {  	[hbm4b:s3+s2] =	stream.indirect_vreg.scatter [tilespmem:s1], [sflag:$0x1], $0x80, v3, vm0, $0xb8;
	[tilespmem:$0x10100] =	vst v63  }
0x71: {  	s1 =	simm.s32 $0xE900  }
0x72: {  	[hbm4b:s4+s2] =	stream.indirect_vreg.scatter [tilespmem:s1], [sflag:$0x1], $0x80, v3, vm0, $0xb8;
	[tilespmem:$0x10100] =	vst v63  }
0x73: {  	s1 =	simm.s32 $0xF100  }
0x74: {  	[hbm4b:s5+s2] =	stream.indirect_vreg.scatter [tilespmem:s1], [sflag:$0x1], $0x80, v3, vm0, $0xb8;
	[tilespmem:$0x10100] =	vst v63  }
0x75: {  	s1 =	simm.s32 $0xF900  }
0x76: {  	[hbm4b:s6+s2] =	stream.indirect_vreg.scatter [tilespmem:s1], [sflag:$0x1], $0x80, v3, vm0, $0xb8;
	[tilespmem:$0x10100] =	vst v63  }
0x77: {  	v3 =	vld [tilespmem:$0x80];
	_ =	sdelay $0x4  }
0x78: {  	v60 =	vshll.u32 v3, $0x3  }
0x79: {  	v3 =	vand.u32 $0x7, v3;
	v4 =	vand.u32 $0xFFFFFFC0, v60  }
0x7a: {  	v3 =	vor.u32 v3, v4  }
0x7b: {  	v4 =	vperm.xlane v3, v0;
	_ =	sdelay $0x1  }
0x7c: {  	v4 =	vadd.s32 v1, v4;
	_ =	sdelay $0x4  }
0x7d: {  	[hbm4b:s3+s2] =	stream.indirect_vreg.scatter [tilespmem:s0], [sflag:$0x1], $0x80, v4, vm0, $0xb8;
	[tilespmem:$0x10100] =	vst v63  }
0x7e: {  	v3 =	vperm.xlane v3, v2  }
0x7f: {  	[hbm4b:s4+s2] =	stream.indirect_vreg.scatter [tilespmem:s18], [sflag:$0x1], $0x80, v4, vm0, $0xb8;
	[tilespmem:$0x10100] =	vst v63  }
0x80: {  	v3 =	vadd.s32 v1, v3  }
0x81: {  	[hbm4b:s5+s2] =	stream.indirect_vreg.scatter [tilespmem:s19], [sflag:$0x1], $0x80, v4, vm0, $0xb8;
	[tilespmem:$0x10100] =	vst v63  }
0x82: {  	_ = 	snop  }
0x83: {  	[hbm4b:s6+s2] =	stream.indirect_vreg.scatter [tilespmem:s20], [sflag:$0x1], $0x80, v4, vm0, $0xb8;
	[tilespmem:$0x10100] =	vst v63  }
0x84: {  	_ = 	snop  }
0x85: {  	[hbm4b:s3+s2] =	stream.indirect_vreg.scatter [tilespmem:s21], [sflag:$0x1], $0x80, v3, vm0, $0xb8;
	[tilespmem:$0x10100] =	vst v63  }
0x86: {  	_ = 	snop  }
0x87: {  	[hbm4b:s4+s2] =	stream.indirect_vreg.scatter [tilespmem:s22], [sflag:$0x1], $0x80, v3, vm0, $0xb8;
	[tilespmem:$0x10100] =	vst v63  }
0x88: {  	_ = 	snop  }
0x89: {  	[hbm4b:s5+s2] =	stream.indirect_vreg.scatter [tilespmem:s23], [sflag:$0x1], $0x80, v3, vm0, $0xb8;
	[tilespmem:$0x10100] =	vst v63  }
0x8a: {  	_ = 	snop  }
0x8b: {  	[hbm4b:s6+s2] =	stream.indirect_vreg.scatter [tilespmem:s24], [sflag:$0x1], $0x80, v3, vm0, $0xb8;
	[tilespmem:$0x10100] =	vst v63  }
0x8c: {  	v3 =	vld [tilespmem:$0x90];
	_ =	sdelay $0x4  }
0x8d: {  	v61 =	vshll.u32 v3, $0x3  }
0x8e: {  	v3 =	vand.u32 $0x7, v3;
	v4 =	vand.u32 $0xFFFFFFC0, v61  }
0x8f: {  	v3 =	vor.u32 v3, v4  }
0x90: {  	v4 =	vperm.xlane v3, v0;
	_ =	sdelay $0x1  }
0x91: {  	v4 =	vadd.s32 v1, v4;
	_ =	sdelay $0x4  }
0x92: {  	[hbm4b:s3+s2] =	stream.indirect_vreg.scatter [tilespmem:s25], [sflag:$0x1], $0x80, v4, vm0, $0xb8;
	[tilespmem:$0x10100] =	vst v63  }
0x93: {  	v3 =	vperm.xlane v3, v2  }
0x94: {  	[hbm4b:s4+s2] =	stream.indirect_vreg.scatter [tilespmem:s26], [sflag:$0x1], $0x80, v4, vm0, $0xb8;
	[tilespmem:$0x10100] =	vst v63  }
0x95: {  	v3 =	vadd.s32 v1, v3  }
0x96: {  	[hbm4b:s5+s2] =	stream.indirect_vreg.scatter [tilespmem:s28], [sflag:$0x1], $0x80, v4, vm0, $0xb8;
	[tilespmem:$0x10100] =	vst v63  }
0x97: {  	_ = 	snop  }
0x98: {  	[hbm4b:s6+s2] =	stream.indirect_vreg.scatter [tilespmem:s29], [sflag:$0x1], $0x80, v4, vm0, $0xb8;
	[tilespmem:$0x10100] =	vst v63  }
0x99: {  	_ = 	snop  }
0x9a: {  	[hbm4b:s3+s2] =	stream.indirect_vreg.scatter [tilespmem:s30], [sflag:$0x1], $0x80, v3, vm0, $0xb8;
	[tilespmem:$0x10100] =	vst v63  }
0x9b: {  	_ = 	snop  }
0x9c: {  	[hbm4b:s4+s2] =	stream.indirect_vreg.scatter [tilespmem:s31], [sflag:$0x1], $0x80, v3, vm0, $0xb8;
	[tilespmem:$0x10100] =	vst v63  }
0x9d: {  	s20 =	simm.s32 $0x7100  }
0x9e: {  	[hbm4b:s5+s2] =	stream.indirect_vreg.scatter [tilespmem:s20], [sflag:$0x1], $0x80, v3, vm0, $0xb8;
	[tilespmem:$0x10100] =	vst v63  }
0x9f: {  	s18 =	simm.s32 $0x7900  }
0xa0: {  	[hbm4b:s6+s2] =	stream.indirect_vreg.scatter [tilespmem:s18], [sflag:$0x1], $0x80, v3, vm0, $0xb8;
	[tilespmem:$0x10100] =	vst v63  }
0xa1: {  	v3 =	vld [tilespmem:$0xA0];
	_ =	sdelay $0x4  }
0xa2: {  	v62 =	vshll.u32 v3, $0x3  }
0xa3: {  	v3 =	vand.u32 $0x7, v3;
	v4 =	vand.u32 $0xFFFFFFC0, v62  }
0xa4: {  	v3 =	vor.u32 v3, v4  }
0xa5: {  	v4 =	vperm.xlane v3, v0;
	_ =	sdelay $0x1  }
0xa6: {  	v4 =	vadd.s32 v1, v4;
	_ =	sdelay $0x4  }
0xa7: {  	[hbm4b:s3+s2] =	stream.indirect_vreg.scatter [tilespmem:s10], [sflag:$0x1], $0x80, v4, vm0, $0xb8;
	[tilespmem:$0x10100] =	vst v63  }
0xa8: {  	v3 =	vperm.xlane v3, v2  }
0xa9: {  	[hbm4b:s4+s2] =	stream.indirect_vreg.scatter [tilespmem:s11], [sflag:$0x1], $0x80, v4, vm0, $0xb8;
	[tilespmem:$0x10100] =	vst v63  }
0xaa: {  	v3 =	vadd.s32 v1, v3  }
0xab: {  	[hbm4b:s5+s2] =	stream.indirect_vreg.scatter [tilespmem:s12], [sflag:$0x1], $0x80, v4, vm0, $0xb8;
	[tilespmem:$0x10100] =	vst v63  }
0xac: {  	_ = 	snop  }
0xad: {  	[hbm4b:s6+s2] =	stream.indirect_vreg.scatter [tilespmem:s13], [sflag:$0x1], $0x80, v4, vm0, $0xb8;
	[tilespmem:$0x10100] =	vst v63  }
0xae: {  	_ = 	snop  }
0xaf: {  	[hbm4b:s3+s2] =	stream.indirect_vreg.scatter [tilespmem:s14], [sflag:$0x1], $0x80, v3, vm0, $0xb8;
	[tilespmem:$0x10100] =	vst v63  }
0xb0: {  	_ = 	snop  }
0xb1: {  	[hbm4b:s4+s2] =	stream.indirect_vreg.scatter [tilespmem:s15], [sflag:$0x1], $0x80, v3, vm0, $0xb8;
	[tilespmem:$0x10100] =	vst v63  }
0xb2: {  	_ = 	snop  }
0xb3: {  	[hbm4b:s5+s2] =	stream.indirect_vreg.scatter [tilespmem:s16], [sflag:$0x1], $0x80, v3, vm0, $0xb8;
	[tilespmem:$0x10100] =	vst v63  }
0xb4: {  	_ = 	snop  }
0xb5: {  	[hbm4b:s6+s2] =	stream.indirect_vreg.scatter [tilespmem:s17], [sflag:$0x1], $0x80, v3, vm0, $0xb8;
	[tilespmem:$0x10100] =	vst v63  }
0xb6: {  	v3 =	vld [tilespmem:$0xB0];
	_ =	sdelay $0x4  }
0xb7: {  	v63 =	vshll.u32 v3, $0x3  }
0xb8: {  	v3 =	vand.u32 $0x7, v3;
	v4 =	vand.u32 $0xFFFFFFC0, v63  }
0xb9: {  	v3 =	vor.u32 v3, v4  }
0xba: {  	v4 =	vperm.xlane v3, v0;
	_ =	sdelay $0x1  }
0xbb: {  	v4 =	vadd.s32 v1, v4;
	_ =	sdelay $0x4  }
0xbc: {  	[hbm4b:s3+s2] =	stream.indirect_vreg.scatter [tilespmem:s8], [sflag:$0x1], $0x80, v4, vm0, $0xb8;
	[tilespmem:$0x10100] =	vst v63  }
0xbd: {  	s19 =	simm.s32 $0xC900;
	v3 =	vperm.xlane v3, v2  }
0xbe: {  	[hbm4b:s4+s2] =	stream.indirect_vreg.scatter [tilespmem:s19], [sflag:$0x1], $0x80, v4, vm0, $0xb8;
	[tilespmem:$0x10100] =	vst v63  }
0xbf: {  	s20 =	simm.s32 $0xD100;
	v3 =	vadd.s32 v1, v3  }
0xc0: {  	[hbm4b:s5+s2] =	stream.indirect_vreg.scatter [tilespmem:s20], [sflag:$0x1], $0x80, v4, vm0, $0xb8;
	[tilespmem:$0x10100] =	vst v63  }
0xc1: {  	s8 =	simm.s32 $0xD900  }
0xc2: {  	[hbm4b:s6+s2] =	stream.indirect_vreg.scatter [tilespmem:s8], [sflag:$0x1], $0x80, v4, vm0, $0xb8;
	[tilespmem:$0x10100] =	vst v63  }
0xc3: {  	s18 =	simm.s32 $0xE100  }
0xc4: {  	[hbm4b:s3+s2] =	stream.indirect_vreg.scatter [tilespmem:s18], [sflag:$0x1], $0x80, v3, vm0, $0xb8;
	[tilespmem:$0x10100] =	vst v63  }
0xc5: {  	s19 =	simm.s32 $0xE900  }
0xc6: {  	[hbm4b:s4+s2] =	stream.indirect_vreg.scatter [tilespmem:s19], [sflag:$0x1], $0x80, v3, vm0, $0xb8;
	[tilespmem:$0x10100] =	vst v63  }
0xc7: {  	s20 =	simm.s32 $0xF100  }
0xc8: {  	[hbm4b:s5+s2] =	stream.indirect_vreg.scatter [tilespmem:s20], [sflag:$0x1], $0x80, v3, vm0, $0xb8;
	[tilespmem:$0x10100] =	vst v63  }
0xc9: {  	s1 =	simm.s32 $0xF900  }
0xca: {  	[hbm4b:s6+s2] =	stream.indirect_vreg.scatter [tilespmem:s1], [sflag:$0x1], $0x80, v3, vm0, $0xb8;
	[tilespmem:$0x10100] =	vst v63  }
0xcb: {  	p0 =	sne.s32 s7, $0x1;
	_ =	swait.ge [sflag:s9], $0x10000  }
.Ltmp0:
0xcc: {  	[sflag:s9] =	ssyncset.done $0x0;
	(pc) =	sbr.rel @p0 .LBB2_1-.Ltmp0, $4  }
0xcd: {  	[sflag:s9] =	ssyncadd.s32 $0xFFFF0000  }
0xce: {  	_ =	swait.ge [sflag:s9], $0x10000  }
0xcf: {  	[sflag:s9] =	ssyncset.done $0x0  }
0xd0: {  	s7 =	sadd.s32 $0xFFFFFFFF, s7;
	[sflag:s9] =	ssyncadd.s32 $0xFFFF0000  }
0xd1: {  	_ =	sfence.sel $0x180000  }
0xd2: {  	[bflag:$0x0] =	sbarrier.arrive $0xFFFF  }
0xd3: {  	_ =	strace $0x90000047  }
0xd4: {  	s0 =	stileid.u32;
	[bflag:$0x2] =	sbarrier.arrive $0xFFFF  }
0xd5: {  	p0 =	sne.s32 s0, $0x0;
	s0 =	rddreg [dreg:$0x2]  }
0xd6: {  	s0 =	sadd.s32 @!p0 $0x100000, s0  }
0xd7: {  	[sflag:s0] =	ssyncadd.tile.s32 @!p0 $0x1;
	_ =	shalt  }
.Lfunc_end2:
_tile_overlayer_lowered:
.L_overlay_start_2:
0xd8: {  	(tag) =	ssettag $0x2  }
0xd9: {  	s0 =	rddreg [dreg:$0x0];
	s2 =	stileid.u32  }
0xda: {  	s1 =	rddreg [dreg:$0x1];
	p0 =	sne.s32 s2, $0x0  }
0xdb: {  	s3 =	rddreg [dreg:$0x2];
	[bflag:$0x3] =	sbarrier.arrive $0xFFFF;
	s2 =	simm.s32 @!p0 $0x1C02  }
0xdc: {  	[timem:s3], [sflag:s2] =	dma.local @!p0 [hbm:s0], s1  }
0xdd: {  	s0 =	simm.s32 @!p0 $0x2  }
0xde: {  	_ =	swait.ge @!p0 [sflag:s0], s1  }
0xdf: {  	s1 =	ssub.s32 @!p0 $0x0, s1;
	[sflag:s0] =	ssyncset.done @!p0 $0x0  }
0xe0: {  	[sflag:s0] =	ssyncadd.s32 @!p0 s1  }
0xe1: {  	[bflag:$0x3] =	sbarrier.arrive $0xFFFF  }
0xe2: {  	_ =	shalt  }

</sc_bundles>
